<compile_context>
chip_gen: v7x
topology: tpu7x:2x2x1
jax: 0.10.2.dev20260603
libtpu: 0.0.44.dev20260713+nightly
codegen_flags: <defaults>
</compile_context>

<pallas_src>
import functools

import jax
import jax.numpy as jnp
from jax import lax
from jax.experimental import pallas as pl
from jax.experimental.pallas import tpu as pltpu
from jax.experimental.pallas import tpu_sc as plsc

BATCH = 1024
OUT_FEATURES = 64

_info = plsc.get_sparse_core_info()
_NC = _info.num_cores
_NS = _info.num_subcores
_L = _info.num_lanes
_NW = _NC * _NS
_B_PER_W = BATCH // _NW


@functools.partial(
    pl.kernel,
    mesh=plsc.VectorSubcoreMesh(core_axis_name="c", subcore_axis_name="s"),
    out_type=jax.ShapeDtypeStruct((BATCH, OUT_FEATURES), jnp.float32),
    scratch_types=[
        pltpu.VMEM((_B_PER_W, 1), jnp.float32),
        pltpu.VMEM((_B_PER_W, OUT_FEATURES), jnp.float32),
        pltpu.SemaphoreType.DMA,
    ],
    compiler_params=pltpu.CompilerParams(needs_layout_passes=False),
)
def _sc_gather(table_hbm, xf_hbm, out_hbm, xf_v, rows_v, sem):
    wid = lax.axis_index("s") * _NC + lax.axis_index("c")
    base = wid * _B_PER_W
    pltpu.sync_copy(xf_hbm.at[pl.ds(base, _B_PER_W)], xf_v)
    lane = lax.iota(jnp.int32, _L)
    col0 = jnp.zeros((_L,), jnp.int32)
    copies = []
    for j in range(_B_PER_W // _L):
        chunk_f = plsc.load_gather(xf_v, [lane + j * _L, col0])
        chunk = chunk_f.astype(jnp.int32)
        for i in range(_L):
            r = jnp.squeeze(lax.slice(chunk, (i,), (i + 1,)))
            c = pltpu.async_copy(table_hbm.at[r], rows_v.at[j * _L + i], sem)
            copies.append(c)
    for c in copies:
        c.wait()
    pltpu.sync_copy(rows_v, out_hbm.at[pl.ds(base, _B_PER_W)])


def kernel(x, feature_array):
    return _sc_gather(feature_array, x)

# --- scband reference (transcript-rebuilt; emitter-appended) ---
"""Pipeline reference for scband-case-idto-feature-arch-core-71124658422108 (READ-ONLY COPY).

The authoritative reference and input builder live on the scoring server;
editing this copy changes nothing except your own understanding.
"""

import jax, jax.numpy as jnp
import numpy as np

TOTAL_CASE = 100000
OUT_FEATURES = 64
BATCH = 1024


def setup_inputs(seed: int = 0) -> dict:
    key = jax.random.key(seed)
    k1, k2 = jax.random.split(key)
    x = jax.random.randint(k1, (BATCH, 1), 0, TOTAL_CASE).astype(jnp.float32)
    feature_array = jax.random.normal(k2, (TOTAL_CASE, OUT_FEATURES), dtype=jnp.float32)
    return {"x": x, "feature_array": feature_array}


def reference(x, feature_array):
    # Unit_function: 1.0 where -0.5 < (x - case_id) < 0.5 else 0.0, detached.
    total_case = feature_array.shape[0]
    case_range = jnp.arange(total_case, dtype=jnp.float32).reshape(1, -1)
    diff = x - case_range
    y = jnp.ones_like(diff)
    y = jnp.where(diff <= -0.5, jnp.zeros_like(y), y)
    y = jnp.where(diff >= 0.5, jnp.zeros_like(y), y)
    case_matrix = jax.lax.stop_gradient(y)  # forward() returns y.detach()
    return jnp.matmul(case_matrix, feature_array)

if __name__ == "__main__":
    import jax
    _d = setup_inputs()
    print(jax.jit(kernel)(*tuple(_d.values())))

</pallas_src>

<mosaic_0001>
#map = affine_map<(d0, d1) -> (0, 0)>
module attributes {stable_mosaic.version = 14 : i64} {
  func.func @_sc_gather(%arg0: i32, %arg1: i32, %arg2: memref<100000x64xf32, #tpu.memory_space<hbm>>, %arg3: memref<1024x1xf32, #tpu.memory_space<hbm>>, %arg4: memref<1024x64xf32, #tpu.memory_space<hbm>>, %arg5: memref<32x1xf32, #tpu.memory_space<vmem>>, %arg6: memref<32x64xf32, #tpu.memory_space<vmem>>, %arg7: memref<!tpu.dma_semaphore, #tpu.memory_space<semaphore_mem>>) attributes {dimension_semantics = [#tpu.dimension_semantics<core_parallel>, #tpu.dimension_semantics<subcore_parallel>], iteration_bounds = array<i64: 2, 16>, scalar_prefetch = 0 : i64, scratch_operands = 3 : i64, tpu.core_type = #tpu.core_type<sc_vector_subcore>, window_params = [{transform_indices = #map}, {transform_indices = #map}, {transform_indices = #map}]} {
    %mul3A = arith.constant 2 : i32
    %mul3A_0 = arith.muli %arg1, %mul3A : i32
    %add3A = arith.addi %mul3A_0, %arg0 : i32
    %mul3A_1 = arith.constant 32 : i32
    %mul3A_2 = arith.muli %add3A, %mul3A_1 : i32
    "tpu.region"() ({
      %run_scoped3A = tpu.sem_alloc : memref<!tpu.dma_semaphore, #tpu.memory_space<semaphore_mem>>
      %dma_start3A_904 = arith.constant 0 : i32
      %dma_start3A_905 = tpu.memref_slice %arg3[%mul3A_2, %dma_start3A_904] : memref<1024x1xf32, #tpu.memory_space<hbm>> -> memref<32x1xf32, #tpu.memory_space<hbm>>
      %dma_start3A_906 = arith.constant 0 : i32
      %dma_start3A_907 = tpu.memref_slice %arg3[%mul3A_2, %dma_start3A_906] : memref<1024x1xf32, #tpu.memory_space<hbm>> -> memref<32x1xf32, #tpu.memory_space<hbm>>
      tpu.enqueue_dma source(%dma_start3A_907 : memref<32x1xf32, #tpu.memory_space<hbm>>) target(%arg5 : memref<32x1xf32, #tpu.memory_space<vmem>>) target_semaphore(%run_scoped3A : memref<!tpu.dma_semaphore, #tpu.memory_space<semaphore_mem>>)
      %dma_wait3A_908 = arith.constant 0 : i32
      %dma_wait3A_909 = tpu.memref_slice %arg3[%mul3A_2, %dma_wait3A_908] : memref<1024x1xf32, #tpu.memory_space<hbm>> -> memref<32x1xf32, #tpu.memory_space<hbm>>
      %dma_wait3A_910 = arith.constant 0 : i32
      %dma_wait3A_911 = tpu.memref_slice %arg3[%mul3A_2, %dma_wait3A_910] : memref<1024x1xf32, #tpu.memory_space<hbm>> -> memref<32x1xf32, #tpu.memory_space<hbm>>
      tpu.wait_dma2 semaphore(%run_scoped3A : memref<!tpu.dma_semaphore, #tpu.memory_space<semaphore_mem>>) src(%dma_wait3A_911 : memref<32x1xf32, #tpu.memory_space<hbm>>) dst(%arg5 : memref<32x1xf32, #tpu.memory_space<vmem>>)
      tpu.yield
    }) : () -> ()
    %iota3A = tpu.iota {dimensions = array<i32: 0>} : vector<16xi32>
    %broadcast_in_dim3A = arith.constant 0 : i32
    %broadcast_in_dim3A_3 = vector.broadcast %broadcast_in_dim3A : i32 to vector<16xi32>
    %add3A_4 = arith.constant 0 : i32
    %add3A_5 = vector.broadcast %add3A_4 : i32 to vector<16xi32>
    %add3A_6 = arith.addi %iota3A, %add3A_5 : vector<16xi32>
    %gather3A = tpu.vector_load_idx %arg5[%add3A_6, %broadcast_in_dim3A_3] : memref<32x1xf32, #tpu.memory_space<vmem>>[vector<16xi32>, vector<16xi32>], vector<16xf32>,
    %convert_element_type3A = arith.fptosi %gather3A : vector<16xf32> to vector<16xi32>
    %slice3A = vector.extract_strided_slice %convert_element_type3A {offsets = [0], sizes = [1], strides = [1]} : vector<16xi32> to vector<1xi32>
    %squeeze3A = vector.extract %slice3A[0] : i32 from vector<1xi32>
    %dma_start3A = arith.constant 0 : i32
    %dma_start3A_7 = arith.constant 0 : i32
    %dma_start3A_8 = tpu.memref_slice %arg6[%dma_start3A, %dma_start3A_7] : memref<32x64xf32, #tpu.memory_space<vmem>> -> memref<1x64xf32, #tpu.memory_space<vmem>>
    %dma_start3A_9 = tpu.memref_squeeze %dma_start3A_8 : memref<1x64xf32, #tpu.memory_space<vmem>> -> memref<64xf32, #tpu.memory_space<vmem>>
    %dma_start3A_10 = arith.constant 0 : i32
    %dma_start3A_11 = tpu.memref_slice %arg2[%squeeze3A, %dma_start3A_10] : memref<100000x64xf32, #tpu.memory_space<hbm>> -> memref<1x64xf32, #tpu.memory_space<hbm>>
    %dma_start3A_12 = tpu.memref_squeeze %dma_start3A_11 : memref<1x64xf32, #tpu.memory_space<hbm>> -> memref<64xf32, #tpu.memory_space<hbm>>
    %dma_start3A_13 = arith.constant 0 : i32
    %dma_start3A_14 = tpu.memref_slice %arg6[%dma_start3A, %dma_start3A_13] : memref<32x64xf32, #tpu.memory_space<vmem>> -> memref<1x64xf32, #tpu.memory_space<vmem>>
    %dma_start3A_15 = tpu.memref_squeeze %dma_start3A_14 : memref<1x64xf32, #tpu.memory_space<vmem>> -> memref<64xf32, #tpu.memory_space<vmem>>
    %dma_start3A_16 = arith.constant 0 : i32
    %dma_start3A_17 = tpu.memref_slice %arg2[%squeeze3A, %dma_start3A_16] : memref<100000x64xf32, #tpu.memory_space<hbm>> -> memref<1x64xf32, #tpu.memory_space<hbm>>
    %dma_start3A_18 = tpu.memref_squeeze %dma_start3A_17 : memref<1x64xf32, #tpu.memory_space<hbm>> -> memref<64xf32, #tpu.memory_space<hbm>>
    tpu.enqueue_dma source(%dma_start3A_18 : memref<64xf32, #tpu.memory_space<hbm>>) target(%dma_start3A_15 : memref<64xf32, #tpu.memory_space<vmem>>) target_semaphore(%arg7 : memref<!tpu.dma_semaphore, #tpu.memory_space<semaphore_mem>>)
    %slice3A_19 = vector.extract_strided_slice %convert_element_type3A {offsets = [1], sizes = [1], strides = [1]} : vector<16xi32> to vector<1xi32>
    %squeeze3A_20 = vector.extract %slice3A_19[0] : i32 from vector<1xi32>
    %dma_start3A_21 = arith.constant 1 : i32
    %dma_start3A_22 = arith.constant 0 : i32
    %dma_start3A_23 = tpu.memref_slice %arg6[%dma_start3A_21, %dma_start3A_22] : memref<32x64xf32, #tpu.memory_space<vmem>> -> memref<1x64xf32, #tpu.memory_space<vmem>>
    %dma_start3A_24 = tpu.memref_squeeze %dma_start3A_23 : memref<1x64xf32, #tpu.memory_space<vmem>> -> memref<64xf32, #tpu.memory_space<vmem>>
    %dma_start3A_25 = arith.constant 0 : i32
    %dma_start3A_26 = tpu.memref_slice %arg2[%squeeze3A_20, %dma_start3A_25] : memref<100000x64xf32, #tpu.memory_space<hbm>> -> memref<1x64xf32, #tpu.memory_space<hbm>>
    %dma_start3A_27 = tpu.memref_squeeze %dma_start3A_26 : memref<1x64xf32, #tpu.memory_space<hbm>> -> memref<64xf32, #tpu.memory_space<hbm>>
    %dma_start3A_28 = arith.constant 0 : i32
    %dma_start3A_29 = tpu.memref_slice %arg6[%dma_start3A_21, %dma_start3A_28] : memref<32x64xf32, #tpu.memory_space<vmem>> -> memref<1x64xf32, #tpu.memory_space<vmem>>
    %dma_start3A_30 = tpu.memref_squeeze %dma_start3A_29 : memref<1x64xf32, #tpu.memory_space<vmem>> -> memref<64xf32, #tpu.memory_space<vmem>>
    %dma_start3A_31 = arith.constant 0 : i32
    %dma_start3A_32 = tpu.memref_slice %arg2[%squeeze3A_20, %dma_start3A_31] : memref<100000x64xf32, #tpu.memory_space<hbm>> -> memref<1x64xf32, #tpu.memory_space<hbm>>
    %dma_start3A_33 = tpu.memref_squeeze %dma_start3A_32 : memref<1x64xf32, #tpu.memory_space<hbm>> -> memref<64xf32, #tpu.memory_space<hbm>>
    tpu.enqueue_dma source(%dma_start3A_33 : memref<64xf32, #tpu.memory_space<hbm>>) target(%dma_start3A_30 : memref<64xf32, #tpu.memory_space<vmem>>) target_semaphore(%arg7 : memref<!tpu.dma_semaphore, #tpu.memory_space<semaphore_mem>>)
    %slice3A_34 = vector.extract_strided_slice %convert_element_type3A {offsets = [2], sizes = [1], strides = [1]} : vector<16xi32> to vector<1xi32>
    %squeeze3A_35 = vector.extract %slice3A_34[0] : i32 from vector<1xi32>
    %dma_start3A_36 = arith.constant 2 : i32
    %dma_start3A_37 = arith.constant 0 : i32
    %dma_start3A_38 = tpu.memref_slice %arg6[%dma_start3A_36, %dma_start3A_37] : memref<32x64xf32, #tpu.memory_space<vmem>> -> memref<1x64xf32, #tpu.memory_space<vmem>>
    %dma_start3A_39 = tpu.memref_squeeze %dma_start3A_38 : memref<1x64xf32, #tpu.memory_space<vmem>> -> memref<64xf32, #tpu.memory_space<vmem>>
    %dma_start3A_40 = arith.constant 0 : i32
    %dma_start3A_41 = tpu.memref_slice %arg2[%squeeze3A_35, %dma_start3A_40] : memref<100000x64xf32, #tpu.memory_space<hbm>> -> memref<1x64xf32, #tpu.memory_space<hbm>>
    %dma_start3A_42 = tpu.memref_squeeze %dma_start3A_41 : memref<1x64xf32, #tpu.memory_space<hbm>> -> memref<64xf32, #tpu.memory_space<hbm>>
    %dma_start3A_43 = arith.constant 0 : i32
    %dma_start3A_44 = tpu.memref_slice %arg6[%dma_start3A_36, %dma_start3A_43] : memref<32x64xf32, #tpu.memory_space<vmem>> -> memref<1x64xf32, #tpu.memory_space<vmem>>
    %dma_start3A_45 = tpu.memref_squeeze %dma_start3A_44 : memref<1x64xf32, #tpu.memory_space<vmem>> -> memref<64xf32, #tpu.memory_space<vmem>>
    %dma_start3A_46 = arith.constant 0 : i32
    %dma_start3A_47 = tpu.memref_slice %arg2[%squeeze3A_35, %dma_start3A_46] : memref<100000x64xf32, #tpu.memory_space<hbm>> -> memref<1x64xf32, #tpu.memory_space<hbm>>
    %dma_start3A_48 = tpu.memref_squeeze %dma_start3A_47 : memref<1x64xf32, #tpu.memory_space<hbm>> -> memref<64xf32, #tpu.memory_space<hbm>>
    tpu.enqueue_dma source(%dma_start3A_48 : memref<64xf32, #tpu.memory_space<hbm>>) target(%dma_start3A_45 : memref<64xf32, #tpu.memory_space<vmem>>) target_semaphore(%arg7 : memref<!tpu.dma_semaphore, #tpu.memory_space<semaphore_mem>>)
    %slice3A_49 = vector.extract_strided_slice %convert_element_type3A {offsets = [3], sizes = [1], strides = [1]} : vector<16xi32> to vector<1xi32>
    %squeeze3A_50 = vector.extract %slice3A_49[0] : i32 from vector<1xi32>
    %dma_start3A_51 = arith.constant 3 : i32
    %dma_start3A_52 = arith.constant 0 : i32
    %dma_start3A_53 = tpu.memref_slice %arg6[%dma_start3A_51, %dma_start3A_52] : memref<32x64xf32, #tpu.memory_space<vmem>> -> memref<1x64xf32, #tpu.memory_space<vmem>>
    %dma_start3A_54 = tpu.memref_squeeze %dma_start3A_53 : memref<1x64xf32, #tpu.memory_space<vmem>> -> memref<64xf32, #tpu.memory_space<vmem>>
    %dma_start3A_55 = arith.constant 0 : i32
    %dma_start3A_56 = tpu.memref_slice %arg2[%squeeze3A_50, %dma_start3A_55] : memref<100000x64xf32, #tpu.memory_space<hbm>> -> memref<1x64xf32, #tpu.memory_space<hbm>>
    %dma_start3A_57 = tpu.memref_squeeze %dma_start3A_56 : memref<1x64xf32, #tpu.memory_space<hbm>> -> memref<64xf32, #tpu.memory_space<hbm>>
    %dma_start3A_58 = arith.constant 0 : i32
    %dma_start3A_59 = tpu.memref_slice %arg6[%dma_start3A_51, %dma_start3A_58] : memref<32x64xf32, #tpu.memory_space<vmem>> -> memref<1x64xf32, #tpu.memory_space<vmem>>
    %dma_start3A_60 = tpu.memref_squeeze %dma_start3A_59 : memref<1x64xf32, #tpu.memory_space<vmem>> -> memref<64xf32, #tpu.memory_space<vmem>>
    %dma_start3A_61 = arith.constant 0 : i32
    %dma_start3A_62 = tpu.memref_slice %arg2[%squeeze3A_50, %dma_start3A_61] : memref<100000x64xf32, #tpu.memory_space<hbm>> -> memref<1x64xf32, #tpu.memory_space<hbm>>
    %dma_start3A_63 = tpu.memref_squeeze %dma_start3A_62 : memref<1x64xf32, #tpu.memory_space<hbm>> -> memref<64xf32, #tpu.memory_space<hbm>>
    tpu.enqueue_dma source(%dma_start3A_63 : memref<64xf32, #tpu.memory_space<hbm>>) target(%dma_start3A_60 : memref<64xf32, #tpu.memory_space<vmem>>) target_semaphore(%arg7 : memref<!tpu.dma_semaphore, #tpu.memory_space<semaphore_mem>>)
    %slice3A_64 = vector.extract_strided_slice %convert_element_type3A {offsets = [4], sizes = [1], strides = [1]} : vector<16xi32> to vector<1xi32>
    %squeeze3A_65 = vector.extract %slice3A_64[0] : i32 from vector<1xi32>
    %dma_start3A_66 = arith.constant 4 : i32
    %dma_start3A_67 = arith.constant 0 : i32
    %dma_start3A_68 = tpu.memref_slice %arg6[%dma_start3A_66, %dma_start3A_67] : memref<32x64xf32, #tpu.memory_space<vmem>> -> memref<1x64xf32, #tpu.memory_space<vmem>>
    %dma_start3A_69 = tpu.memref_squeeze %dma_start3A_68 : memref<1x64xf32, #tpu.memory_space<vmem>> -> memref<64xf32, #tpu.memory_space<vmem>>
    %dma_start3A_70 = arith.constant 0 : i32
    %dma_start3A_71 = tpu.memref_slice %arg2[%squeeze3A_65, %dma_start3A_70] : memref<100000x64xf32, #tpu.memory_space<hbm>> -> memref<1x64xf32, #tpu.memory_space<hbm>>
    %dma_start3A_72 = tpu.memref_squeeze %dma_start3A_71 : memref<1x64xf32, #tpu.memory_space<hbm>> -> memref<64xf32, #tpu.memory_space<hbm>>
    %dma_start3A_73 = arith.constant 0 : i32
    %dma_start3A_74 = tpu.memref_slice %arg6[%dma_start3A_66, %dma_start3A_73] : memref<32x64xf32, #tpu.memory_space<vmem>> -> memref<1x64xf32, #tpu.memory_space<vmem>>
    %dma_start3A_75 = tpu.memref_squeeze %dma_start3A_74 : memref<1x64xf32, #tpu.memory_space<vmem>> -> memref<64xf32, #tpu.memory_space<vmem>>
    %dma_start3A_76 = arith.constant 0 : i32
    %dma_start3A_77 = tpu.memref_slice %arg2[%squeeze3A_65, %dma_start3A_76] : memref<100000x64xf32, #tpu.memory_space<hbm>> -> memref<1x64xf32, #tpu.memory_space<hbm>>
    %dma_start3A_78 = tpu.memref_squeeze %dma_start3A_77 : memref<1x64xf32, #tpu.memory_space<hbm>> -> memref<64xf32, #tpu.memory_space<hbm>>
    tpu.enqueue_dma source(%dma_start3A_78 : memref<64xf32, #tpu.memory_space<hbm>>) target(%dma_start3A_75 : memref<64xf32, #tpu.memory_space<vmem>>) target_semaphore(%arg7 : memref<!tpu.dma_semaphore, #tpu.memory_space<semaphore_mem>>)
    %slice3A_79 = vector.extract_strided_slice %convert_element_type3A {offsets = [5], sizes = [1], strides = [1]} : vector<16xi32> to vector<1xi32>
    %squeeze3A_80 = vector.extract %slice3A_79[0] : i32 from vector<1xi32>
    %dma_start3A_81 = arith.constant 5 : i32
    %dma_start3A_82 = arith.constant 0 : i32
    %dma_start3A_83 = tpu.memref_slice %arg6[%dma_start3A_81, %dma_start3A_82] : memref<32x64xf32, #tpu.memory_space<vmem>> -> memref<1x64xf32, #tpu.memory_space<vmem>>
    %dma_start3A_84 = tpu.memref_squeeze %dma_start3A_83 : memref<1x64xf32, #tpu.memory_space<vmem>> -> memref<64xf32, #tpu.memory_space<vmem>>
    %dma_start3A_85 = arith.constant 0 : i32
    %dma_start3A_86 = tpu.memref_slice %arg2[%squeeze3A_80, %dma_start3A_85] : memref<100000x64xf32, #tpu.memory_space<hbm>> -> memref<1x64xf32, #tpu.memory_space<hbm>>
    %dma_start3A_87 = tpu.memref_squeeze %dma_start3A_86 : memref<1x64xf32, #tpu.memory_space<hbm>> -> memref<64xf32, #tpu.memory_space<hbm>>
    %dma_start3A_88 = arith.constant 0 : i32
    %dma_start3A_89 = tpu.memref_slice %arg6[%dma_start3A_81, %dma_start3A_88] : memref<32x64xf32, #tpu.memory_space<vmem>> -> memref<1x64xf32, #tpu.memory_space<vmem>>
    %dma_start3A_90 = tpu.memref_squeeze %dma_start3A_89 : memref<1x64xf32, #tpu.memory_space<vmem>> -> memref<64xf32, #tpu.memory_space<vmem>>
    %dma_start3A_91 = arith.constant 0 : i32
    %dma_start3A_92 = tpu.memref_slice %arg2[%squeeze3A_80, %dma_start3A_91] : memref<100000x64xf32, #tpu.memory_space<hbm>> -> memref<1x64xf32, #tpu.memory_space<hbm>>
    %dma_start3A_93 = tpu.memref_squeeze %dma_start3A_92 : memref<1x64xf32, #tpu.memory_space<hbm>> -> memref<64xf32, #tpu.memory_space<hbm>>
    tpu.enqueue_dma source(%dma_start3A_93 : memref<64xf32, #tpu.memory_space<hbm>>) target(%dma_start3A_90 : memref<64xf32, #tpu.memory_space<vmem>>) target_semaphore(%arg7 : memref<!tpu.dma_semaphore, #tpu.memory_space<semaphore_mem>>)
    %slice3A_94 = vector.extract_strided_slice %convert_element_type3A {offsets = [6], sizes = [1], strides = [1]} : vector<16xi32> to vector<1xi32>
    %squeeze3A_95 = vector.extract %slice3A_94[0] : i32 from vector<1xi32>
    %dma_start3A_96 = arith.constant 6 : i32
    %dma_start3A_97 = arith.constant 0 : i32
    %dma_start3A_98 = tpu.memref_slice %arg6[%dma_start3A_96, %dma_start3A_97] : memref<32x64xf32, #tpu.memory_space<vmem>> -> memref<1x64xf32, #tpu.memory_space<vmem>>
    %dma_start3A_99 = tpu.memref_squeeze %dma_start3A_98 : memref<1x64xf32, #tpu.memory_space<vmem>> -> memref<64xf32, #tpu.memory_space<vmem>>
    %dma_start3A_100 = arith.constant 0 : i32
    %dma_start3A_101 = tpu.memref_slice %arg2[%squeeze3A_95, %dma_start3A_100] : memref<100000x64xf32, #tpu.memory_space<hbm>> -> memref<1x64xf32, #tpu.memory_space<hbm>>
    %dma_start3A_102 = tpu.memref_squeeze %dma_start3A_101 : memref<1x64xf32, #tpu.memory_space<hbm>> -> memref<64xf32, #tpu.memory_space<hbm>>
    %dma_start3A_103 = arith.constant 0 : i32
    %dma_start3A_104 = tpu.memref_slice %arg6[%dma_start3A_96, %dma_start3A_103] : memref<32x64xf32, #tpu.memory_space<vmem>> -> memref<1x64xf32, #tpu.memory_space<vmem>>
    %dma_start3A_105 = tpu.memref_squeeze %dma_start3A_104 : memref<1x64xf32, #tpu.memory_space<vmem>> -> memref<64xf32, #tpu.memory_space<vmem>>
    %dma_start3A_106 = arith.constant 0 : i32
    %dma_start3A_107 = tpu.memref_slice %arg2[%squeeze3A_95, %dma_start3A_106] : memref<100000x64xf32, #tpu.memory_space<hbm>> -> memref<1x64xf32, #tpu.memory_space<hbm>>
    %dma_start3A_108 = tpu.memref_squeeze %dma_start3A_107 : memref<1x64xf32, #tpu.memory_space<hbm>> -> memref<64xf32, #tpu.memory_space<hbm>>
    tpu.enqueue_dma source(%dma_start3A_108 : memref<64xf32, #tpu.memory_space<hbm>>) target(%dma_start3A_105 : memref<64xf32, #tpu.memory_space<vmem>>) target_semaphore(%arg7 : memref<!tpu.dma_semaphore, #tpu.memory_space<semaphore_mem>>)
    %slice3A_109 = vector.extract_strided_slice %convert_element_type3A {offsets = [7], sizes = [1], strides = [1]} : vector<16xi32> to vector<1xi32>
    %squeeze3A_110 = vector.extract %slice3A_109[0] : i32 from vector<1xi32>
    %dma_start3A_111 = arith.constant 7 : i32
    %dma_start3A_112 = arith.constant 0 : i32
    %dma_start3A_113 = tpu.memref_slice %arg6[%dma_start3A_111, %dma_start3A_112] : memref<32x64xf32, #tpu.memory_space<vmem>> -> memref<1x64xf32, #tpu.memory_space<vmem>>
    %dma_start3A_114 = tpu.memref_squeeze %dma_start3A_113 : memref<1x64xf32, #tpu.memory_space<vmem>> -> memref<64xf32, #tpu.memory_space<vmem>>
    %dma_start3A_115 = arith.constant 0 : i32
    %dma_start3A_116 = tpu.memref_slice %arg2[%squeeze3A_110, %dma_start3A_115] : memref<100000x64xf32, #tpu.memory_space<hbm>> -> memref<1x64xf32, #tpu.memory_space<hbm>>
    %dma_start3A_117 = tpu.memref_squeeze %dma_start3A_116 : memref<1x64xf32, #tpu.memory_space<hbm>> -> memref<64xf32, #tpu.memory_space<hbm>>
    %dma_start3A_118 = arith.constant 0 : i32
    %dma_start3A_119 = tpu.memref_slice %arg6[%dma_start3A_111, %dma_start3A_118] : memref<32x64xf32, #tpu.memory_space<vmem>> -> memref<1x64xf32, #tpu.memory_space<vmem>>
    %dma_start3A_120 = tpu.memref_squeeze %dma_start3A_119 : memref<1x64xf32, #tpu.memory_space<vmem>> -> memref<64xf32, #tpu.memory_space<vmem>>
    %dma_start3A_121 = arith.constant 0 : i32
    %dma_start3A_122 = tpu.memref_slice %arg2[%squeeze3A_110, %dma_start3A_121] : memref<100000x64xf32, #tpu.memory_space<hbm>> -> memref<1x64xf32, #tpu.memory_space<hbm>>
    %dma_start3A_123 = tpu.memref_squeeze %dma_start3A_122 : memref<1x64xf32, #tpu.memory_space<hbm>> -> memref<64xf32, #tpu.memory_space<hbm>>
    tpu.enqueue_dma source(%dma_start3A_123 : memref<64xf32, #tpu.memory_space<hbm>>) target(%dma_start3A_120 : memref<64xf32, #tpu.memory_space<vmem>>) target_semaphore(%arg7 : memref<!tpu.dma_semaphore, #tpu.memory_space<semaphore_mem>>)
    %slice3A_124 = vector.extract_strided_slice %convert_element_type3A {offsets = [8], sizes = [1], strides = [1]} : vector<16xi32> to vector<1xi32>
    %squeeze3A_125 = vector.extract %slice3A_124[0] : i32 from vector<1xi32>
    %dma_start3A_126 = arith.constant 8 : i32
    %dma_start3A_127 = arith.constant 0 : i32
    %dma_start3A_128 = tpu.memref_slice %arg6[%dma_start3A_126, %dma_start3A_127] : memref<32x64xf32, #tpu.memory_space<vmem>> -> memref<1x64xf32, #tpu.memory_space<vmem>>
    %dma_start3A_129 = tpu.memref_squeeze %dma_start3A_128 : memref<1x64xf32, #tpu.memory_space<vmem>> -> memref<64xf32, #tpu.memory_space<vmem>>
    %dma_start3A_130 = arith.constant 0 : i32
    %dma_start3A_131 = tpu.memref_slice %arg2[%squeeze3A_125, %dma_start3A_130] : memref<100000x64xf32, #tpu.memory_space<hbm>> -> memref<1x64xf32, #tpu.memory_space<hbm>>
    %dma_start3A_132 = tpu.memref_squeeze %dma_start3A_131 : memref<1x64xf32, #tpu.memory_space<hbm>> -> memref<64xf32, #tpu.memory_space<hbm>>
    %dma_start3A_133 = arith.constant 0 : i32
    %dma_start3A_134 = tpu.memref_slice %arg6[%dma_start3A_126, %dma_start3A_133] : memref<32x64xf32, #tpu.memory_space<vmem>> -> memref<1x64xf32, #tpu.memory_space<vmem>>
    %dma_start3A_135 = tpu.memref_squeeze %dma_start3A_134 : memref<1x64xf32, #tpu.memory_space<vmem>> -> memref<64xf32, #tpu.memory_space<vmem>>
    %dma_start3A_136 = arith.constant 0 : i32
    %dma_start3A_137 = tpu.memref_slice %arg2[%squeeze3A_125, %dma_start3A_136] : memref<100000x64xf32, #tpu.memory_space<hbm>> -> memref<1x64xf32, #tpu.memory_space<hbm>>
    %dma_start3A_138 = tpu.memref_squeeze %dma_start3A_137 : memref<1x64xf32, #tpu.memory_space<hbm>> -> memref<64xf32, #tpu.memory_space<hbm>>
    tpu.enqueue_dma source(%dma_start3A_138 : memref<64xf32, #tpu.memory_space<hbm>>) target(%dma_start3A_135 : memref<64xf32, #tpu.memory_space<vmem>>) target_semaphore(%arg7 : memref<!tpu.dma_semaphore, #tpu.memory_space<semaphore_mem>>)
    %slice3A_139 = vector.extract_strided_slice %convert_element_type3A {offsets = [9], sizes = [1], strides = [1]} : vector<16xi32> to vector<1xi32>
    %squeeze3A_140 = vector.extract %slice3A_139[0] : i32 from vector<1xi32>
    %dma_start3A_141 = arith.constant 9 : i32
    %dma_start3A_142 = arith.constant 0 : i32
    %dma_start3A_143 = tpu.memref_slice %arg6[%dma_start3A_141, %dma_start3A_142] : memref<32x64xf32, #tpu.memory_space<vmem>> -> memref<1x64xf32, #tpu.memory_space<vmem>>
    %dma_start3A_144 = tpu.memref_squeeze %dma_start3A_143 : memref<1x64xf32, #tpu.memory_space<vmem>> -> memref<64xf32, #tpu.memory_space<vmem>>
    %dma_start3A_145 = arith.constant 0 : i32
    %dma_start3A_146 = tpu.memref_slice %arg2[%squeeze3A_140, %dma_start3A_145] : memref<100000x64xf32, #tpu.memory_space<hbm>> -> memref<1x64xf32, #tpu.memory_space<hbm>>
    %dma_start3A_147 = tpu.memref_squeeze %dma_start3A_146 : memref<1x64xf32, #tpu.memory_space<hbm>> -> memref<64xf32, #tpu.memory_space<hbm>>
    %dma_start3A_148 = arith.constant 0 : i32
    %dma_start3A_149 = tpu.memref_slice %arg6[%dma_start3A_141, %dma_start3A_148] : memref<32x64xf32, #tpu.memory_space<vmem>> -> memref<1x64xf32, #tpu.memory_space<vmem>>
    %dma_start3A_150 = tpu.memref_squeeze %dma_start3A_149 : memref<1x64xf32, #tpu.memory_space<vmem>> -> memref<64xf32, #tpu.memory_space<vmem>>
    %dma_start3A_151 = arith.constant 0 : i32
    %dma_start3A_152 = tpu.memref_slice %arg2[%squeeze3A_140, %dma_start3A_151] : memref<100000x64xf32, #tpu.memory_space<hbm>> -> memref<1x64xf32, #tpu.memory_space<hbm>>
    %dma_start3A_153 = tpu.memref_squeeze %dma_start3A_152 : memref<1x64xf32, #tpu.memory_space<hbm>> -> memref<64xf32, #tpu.memory_space<hbm>>
    tpu.enqueue_dma source(%dma_start3A_153 : memref<64xf32, #tpu.memory_space<hbm>>) target(%dma_start3A_150 : memref<64xf32, #tpu.memory_space<vmem>>) target_semaphore(%arg7 : memref<!tpu.dma_semaphore, #tpu.memory_space<semaphore_mem>>)
    %slice3A_154 = vector.extract_strided_slice %convert_element_type3A {offsets = [10], sizes = [1], strides = [1]} : vector<16xi32> to vector<1xi32>
    %squeeze3A_155 = vector.extract %slice3A_154[0] : i32 from vector<1xi32>
    %dma_start3A_156 = arith.constant 10 : i32
    %dma_start3A_157 = arith.constant 0 : i32
    %dma_start3A_158 = tpu.memref_slice %arg6[%dma_start3A_156, %dma_start3A_157] : memref<32x64xf32, #tpu.memory_space<vmem>> -> memref<1x64xf32, #tpu.memory_space<vmem>>
    %dma_start3A_159 = tpu.memref_squeeze %dma_start3A_158 : memref<1x64xf32, #tpu.memory_space<vmem>> -> memref<64xf32, #tpu.memory_space<vmem>>
    %dma_start3A_160 = arith.constant 0 : i32
    %dma_start3A_161 = tpu.memref_slice %arg2[%squeeze3A_155, %dma_start3A_160] : memref<100000x64xf32, #tpu.memory_space<hbm>> -> memref<1x64xf32, #tpu.memory_space<hbm>>
    %dma_start3A_162 = tpu.memref_squeeze %dma_start3A_161 : memref<1x64xf32, #tpu.memory_space<hbm>> -> memref<64xf32, #tpu.memory_space<hbm>>
    %dma_start3A_163 = arith.constant 0 : i32
    %dma_start3A_164 = tpu.memref_slice %arg6[%dma_start3A_156, %dma_start3A_163] : memref<32x64xf32, #tpu.memory_space<vmem>> -> memref<1x64xf32, #tpu.memory_space<vmem>>
    %dma_start3A_165 = tpu.memref_squeeze %dma_start3A_164 : memref<1x64xf32, #tpu.memory_space<vmem>> -> memref<64xf32, #tpu.memory_space<vmem>>
    %dma_start3A_166 = arith.constant 0 : i32
    %dma_start3A_167 = tpu.memref_slice %arg2[%squeeze3A_155, %dma_start3A_166] : memref<100000x64xf32, #tpu.memory_space<hbm>> -> memref<1x64xf32, #tpu.memory_space<hbm>>
    %dma_start3A_168 = tpu.memref_squeeze %dma_start3A_167 : memref<1x64xf32, #tpu.memory_space<hbm>> -> memref<64xf32, #tpu.memory_space<hbm>>
    tpu.enqueue_dma source(%dma_start3A_168 : memref<64xf32, #tpu.memory_space<hbm>>) target(%dma_start3A_165 : memref<64xf32, #tpu.memory_space<vmem>>) target_semaphore(%arg7 : memref<!tpu.dma_semaphore, #tpu.memory_space<semaphore_mem>>)
    %slice3A_169 = vector.extract_strided_slice %convert_element_type3A {offsets = [11], sizes = [1], strides = [1]} : vector<16xi32> to vector<1xi32>
    %squeeze3A_170 = vector.extract %slice3A_169[0] : i32 from vector<1xi32>
    %dma_start3A_171 = arith.constant 11 : i32
    %dma_start3A_172 = arith.constant 0 : i32
    %dma_start3A_173 = tpu.memref_slice %arg6[%dma_start3A_171, %dma_start3A_172] : memref<32x64xf32, #tpu.memory_space<vmem>> -> memref<1x64xf32, #tpu.memory_space<vmem>>
    %dma_start3A_174 = tpu.memref_squeeze %dma_start3A_173 : memref<1x64xf32, #tpu.memory_space<vmem>> -> memref<64xf32, #tpu.memory_space<vmem>>
    %dma_start3A_175 = arith.constant 0 : i32
    %dma_start3A_176 = tpu.memref_slice %arg2[%squeeze3A_170, %dma_start3A_175] : memref<100000x64xf32, #tpu.memory_space<hbm>> -> memref<1x64xf32, #tpu.memory_space<hbm>>
    %dma_start3A_177 = tpu.memref_squeeze %dma_start3A_176 : memref<1x64xf32, #tpu.memory_space<hbm>> -> memref<64xf32, #tpu.memory_space<hbm>>
    %dma_start3A_178 = arith.constant 0 : i32
    %dma_start3A_179 = tpu.memref_slice %arg6[%dma_start3A_171, %dma_start3A_178] : memref<32x64xf32, #tpu.memory_space<vmem>> -> memref<1x64xf32, #tpu.memory_space<vmem>>
    %dma_start3A_180 = tpu.memref_squeeze %dma_start3A_179 : memref<1x64xf32, #tpu.memory_space<vmem>> -> memref<64xf32, #tpu.memory_space<vmem>>
    %dma_start3A_181 = arith.constant 0 : i32
    %dma_start3A_182 = tpu.memref_slice %arg2[%squeeze3A_170, %dma_start3A_181] : memref<100000x64xf32, #tpu.memory_space<hbm>> -> memref<1x64xf32, #tpu.memory_space<hbm>>
    %dma_start3A_183 = tpu.memref_squeeze %dma_start3A_182 : memref<1x64xf32, #tpu.memory_space<hbm>> -> memref<64xf32, #tpu.memory_space<hbm>>
    tpu.enqueue_dma source(%dma_start3A_183 : memref<64xf32, #tpu.memory_space<hbm>>) target(%dma_start3A_180 : memref<64xf32, #tpu.memory_space<vmem>>) target_semaphore(%arg7 : memref<!tpu.dma_semaphore, #tpu.memory_space<semaphore_mem>>)
    %slice3A_184 = vector.extract_strided_slice %convert_element_type3A {offsets = [12], sizes = [1], strides = [1]} : vector<16xi32> to vector<1xi32>
    %squeeze3A_185 = vector.extract %slice3A_184[0] : i32 from vector<1xi32>
    %dma_start3A_186 = arith.constant 12 : i32
    %dma_start3A_187 = arith.constant 0 : i32
    %dma_start3A_188 = tpu.memref_slice %arg6[%dma_start3A_186, %dma_start3A_187] : memref<32x64xf32, #tpu.memory_space<vmem>> -> memref<1x64xf32, #tpu.memory_space<vmem>>
    %dma_start3A_189 = tpu.memref_squeeze %dma_start3A_188 : memref<1x64xf32, #tpu.memory_space<vmem>> -> memref<64xf32, #tpu.memory_space<vmem>>
    %dma_start3A_190 = arith.constant 0 : i32
    %dma_start3A_191 = tpu.memref_slice %arg2[%squeeze3A_185, %dma_start3A_190] : memref<100000x64xf32, #tpu.memory_space<hbm>> -> memref<1x64xf32, #tpu.memory_space<hbm>>
    %dma_start3A_192 = tpu.memref_squeeze %dma_start3A_191 : memref<1x64xf32, #tpu.memory_space<hbm>> -> memref<64xf32, #tpu.memory_space<hbm>>
    %dma_start3A_193 = arith.constant 0 : i32
    %dma_start3A_194 = tpu.memref_slice %arg6[%dma_start3A_186, %dma_start3A_193] : memref<32x64xf32, #tpu.memory_space<vmem>> -> memref<1x64xf32, #tpu.memory_space<vmem>>
    %dma_start3A_195 = tpu.memref_squeeze %dma_start3A_194 : memref<1x64xf32, #tpu.memory_space<vmem>> -> memref<64xf32, #tpu.memory_space<vmem>>
    %dma_start3A_196 = arith.constant 0 : i32
    %dma_start3A_197 = tpu.memref_slice %arg2[%squeeze3A_185, %dma_start3A_196] : memref<100000x64xf32, #tpu.memory_space<hbm>> -> memref<1x64xf32, #tpu.memory_space<hbm>>
    %dma_start3A_198 = tpu.memref_squeeze %dma_start3A_197 : memref<1x64xf32, #tpu.memory_space<hbm>> -> memref<64xf32, #tpu.memory_space<hbm>>
    tpu.enqueue_dma source(%dma_start3A_198 : memref<64xf32, #tpu.memory_space<hbm>>) target(%dma_start3A_195 : memref<64xf32, #tpu.memory_space<vmem>>) target_semaphore(%arg7 : memref<!tpu.dma_semaphore, #tpu.memory_space<semaphore_mem>>)
    %slice3A_199 = vector.extract_strided_slice %convert_element_type3A {offsets = [13], sizes = [1], strides = [1]} : vector<16xi32> to vector<1xi32>
    %squeeze3A_200 = vector.extract %slice3A_199[0] : i32 from vector<1xi32>
    %dma_start3A_201 = arith.constant 13 : i32
    %dma_start3A_202 = arith.constant 0 : i32
    %dma_start3A_203 = tpu.memref_slice %arg6[%dma_start3A_201, %dma_start3A_202] : memref<32x64xf32, #tpu.memory_space<vmem>> -> memref<1x64xf32, #tpu.memory_space<vmem>>
    %dma_start3A_204 = tpu.memref_squeeze %dma_start3A_203 : memref<1x64xf32, #tpu.memory_space<vmem>> -> memref<64xf32, #tpu.memory_space<vmem>>
    %dma_start3A_205 = arith.constant 0 : i32
    %dma_start3A_206 = tpu.memref_slice %arg2[%squeeze3A_200, %dma_start3A_205] : memref<100000x64xf32, #tpu.memory_space<hbm>> -> memref<1x64xf32, #tpu.memory_space<hbm>>
    %dma_start3A_207 = tpu.memref_squeeze %dma_start3A_206 : memref<1x64xf32, #tpu.memory_space<hbm>> -> memref<64xf32, #tpu.memory_space<hbm>>
    %dma_start3A_208 = arith.constant 0 : i32
    %dma_start3A_209 = tpu.memref_slice %arg6[%dma_start3A_201, %dma_start3A_208] : memref<32x64xf32, #tpu.memory_space<vmem>> -> memref<1x64xf32, #tpu.memory_space<vmem>>
    %dma_start3A_210 = tpu.memref_squeeze %dma_start3A_209 : memref<1x64xf32, #tpu.memory_space<vmem>> -> memref<64xf32, #tpu.memory_space<vmem>>
    %dma_start3A_211 = arith.constant 0 : i32
    %dma_start3A_212 = tpu.memref_slice %arg2[%squeeze3A_200, %dma_start3A_211] : memref<100000x64xf32, #tpu.memory_space<hbm>> -> memref<1x64xf32, #tpu.memory_space<hbm>>
    %dma_start3A_213 = tpu.memref_squeeze %dma_start3A_212 : memref<1x64xf32, #tpu.memory_space<hbm>> -> memref<64xf32, #tpu.memory_space<hbm>>
    tpu.enqueue_dma source(%dma_start3A_213 : memref<64xf32, #tpu.memory_space<hbm>>) target(%dma_start3A_210 : memref<64xf32, #tpu.memory_space<vmem>>) target_semaphore(%arg7 : memref<!tpu.dma_semaphore, #tpu.memory_space<semaphore_mem>>)
    %slice3A_214 = vector.extract_strided_slice %convert_element_type3A {offsets = [14], sizes = [1], strides = [1]} : vector<16xi32> to vector<1xi32>
    %squeeze3A_215 = vector.extract %slice3A_214[0] : i32 from vector<1xi32>
    %dma_start3A_216 = arith.constant 14 : i32
    %dma_start3A_217 = arith.constant 0 : i32
    %dma_start3A_218 = tpu.memref_slice %arg6[%dma_start3A_216, %dma_start3A_217] : memref<32x64xf32, #tpu.memory_space<vmem>> -> memref<1x64xf32, #tpu.memory_space<vmem>>
    %dma_start3A_219 = tpu.memref_squeeze %dma_start3A_218 : memref<1x64xf32, #tpu.memory_space<vmem>> -> memref<64xf32, #tpu.memory_space<vmem>>
    %dma_start3A_220 = arith.constant 0 : i32
    %dma_start3A_221 = tpu.memref_slice %arg2[%squeeze3A_215, %dma_start3A_220] : memref<100000x64xf32, #tpu.memory_space<hbm>> -> memref<1x64xf32, #tpu.memory_space<hbm>>
    %dma_start3A_222 = tpu.memref_squeeze %dma_start3A_221 : memref<1x64xf32, #tpu.memory_space<hbm>> -> memref<64xf32, #tpu.memory_space<hbm>>
    %dma_start3A_223 = arith.constant 0 : i32
    %dma_start3A_224 = tpu.memref_slice %arg6[%dma_start3A_216, %dma_start3A_223] : memref<32x64xf32, #tpu.memory_space<vmem>> -> memref<1x64xf32, #tpu.memory_space<vmem>>
    %dma_start3A_225 = tpu.memref_squeeze %dma_start3A_224 : memref<1x64xf32, #tpu.memory_space<vmem>> -> memref<64xf32, #tpu.memory_space<vmem>>
    %dma_start3A_226 = arith.constant 0 : i32
    %dma_start3A_227 = tpu.memref_slice %arg2[%squeeze3A_215, %dma_start3A_226] : memref<100000x64xf32, #tpu.memory_space<hbm>> -> memref<1x64xf32, #tpu.memory_space<hbm>>
    %dma_start3A_228 = tpu.memref_squeeze %dma_start3A_227 : memref<1x64xf32, #tpu.memory_space<hbm>> -> memref<64xf32, #tpu.memory_space<hbm>>
    tpu.enqueue_dma source(%dma_start3A_228 : memref<64xf32, #tpu.memory_space<hbm>>) target(%dma_start3A_225 : memref<64xf32, #tpu.memory_space<vmem>>) target_semaphore(%arg7 : memref<!tpu.dma_semaphore, #tpu.memory_space<semaphore_mem>>)
    %slice3A_229 = vector.extract_strided_slice %convert_element_type3A {offsets = [15], sizes = [1], strides = [1]} : vector<16xi32> to vector<1xi32>
    %squeeze3A_230 = vector.extract %slice3A_229[0] : i32 from vector<1xi32>
    %dma_start3A_231 = arith.constant 15 : i32
    %dma_start3A_232 = arith.constant 0 : i32
    %dma_start3A_233 = tpu.memref_slice %arg6[%dma_start3A_231, %dma_start3A_232] : memref<32x64xf32, #tpu.memory_space<vmem>> -> memref<1x64xf32, #tpu.memory_space<vmem>>
    %dma_start3A_234 = tpu.memref_squeeze %dma_start3A_233 : memref<1x64xf32, #tpu.memory_space<vmem>> -> memref<64xf32, #tpu.memory_space<vmem>>
    %dma_start3A_235 = arith.constant 0 : i32
    %dma_start3A_236 = tpu.memref_slice %arg2[%squeeze3A_230, %dma_start3A_235] : memref<100000x64xf32, #tpu.memory_space<hbm>> -> memref<1x64xf32, #tpu.memory_space<hbm>>
    %dma_start3A_237 = tpu.memref_squeeze %dma_start3A_236 : memref<1x64xf32, #tpu.memory_space<hbm>> -> memref<64xf32, #tpu.memory_space<hbm>>
    %dma_start3A_238 = arith.constant 0 : i32
    %dma_start3A_239 = tpu.memref_slice %arg6[%dma_start3A_231, %dma_start3A_238] : memref<32x64xf32, #tpu.memory_space<vmem>> -> memref<1x64xf32, #tpu.memory_space<vmem>>
    %dma_start3A_240 = tpu.memref_squeeze %dma_start3A_239 : memref<1x64xf32, #tpu.memory_space<vmem>> -> memref<64xf32, #tpu.memory_space<vmem>>
    %dma_start3A_241 = arith.constant 0 : i32
    %dma_start3A_242 = tpu.memref_slice %arg2[%squeeze3A_230, %dma_start3A_241] : memref<100000x64xf32, #tpu.memory_space<hbm>> -> memref<1x64xf32, #tpu.memory_space<hbm>>
    %dma_start3A_243 = tpu.memref_squeeze %dma_start3A_242 : memref<1x64xf32, #tpu.memory_space<hbm>> -> memref<64xf32, #tpu.memory_space<hbm>>
    tpu.enqueue_dma source(%dma_start3A_243 : memref<64xf32, #tpu.memory_space<hbm>>) target(%dma_start3A_240 : memref<64xf32, #tpu.memory_space<vmem>>) target_semaphore(%arg7 : memref<!tpu.dma_semaphore, #tpu.memory_space<semaphore_mem>>)
    %add3A_244 = arith.constant 16 : i32
    %add3A_245 = vector.broadcast %add3A_244 : i32 to vector<16xi32>
    %add3A_246 = arith.addi %iota3A, %add3A_245 : vector<16xi32>
    %gather3A_247 = tpu.vector_load_idx %arg5[%add3A_246, %broadcast_in_dim3A_3] : memref<32x1xf32, #tpu.memory_space<vmem>>[vector<16xi32>, vector<16xi32>], vector<16xf32>,
    %convert_element_type3A_248 = arith.fptosi %gather3A_247 : vector<16xf32> to vector<16xi32>
    %slice3A_249 = vector.extract_strided_slice %convert_element_type3A_248 {offsets = [0], sizes = [1], strides = [1]} : vector<16xi32> to vector<1xi32>
    %squeeze3A_250 = vector.extract %slice3A_249[0] : i32 from vector<1xi32>
    %dma_start3A_251 = arith.constant 16 : i32
    %dma_start3A_252 = arith.constant 0 : i32
    %dma_start3A_253 = tpu.memref_slice %arg6[%dma_start3A_251, %dma_start3A_252] : memref<32x64xf32, #tpu.memory_space<vmem>> -> memref<1x64xf32, #tpu.memory_space<vmem>>
    %dma_start3A_254 = tpu.memref_squeeze %dma_start3A_253 : memref<1x64xf32, #tpu.memory_space<vmem>> -> memref<64xf32, #tpu.memory_space<vmem>>
    %dma_start3A_255 = arith.constant 0 : i32
    %dma_start3A_256 = tpu.memref_slice %arg2[%squeeze3A_250, %dma_start3A_255] : memref<100000x64xf32, #tpu.memory_space<hbm>> -> memref<1x64xf32, #tpu.memory_space<hbm>>
    %dma_start3A_257 = tpu.memref_squeeze %dma_start3A_256 : memref<1x64xf32, #tpu.memory_space<hbm>> -> memref<64xf32, #tpu.memory_space<hbm>>
    %dma_start3A_258 = arith.constant 0 : i32
    %dma_start3A_259 = tpu.memref_slice %arg6[%dma_start3A_251, %dma_start3A_258] : memref<32x64xf32, #tpu.memory_space<vmem>> -> memref<1x64xf32, #tpu.memory_space<vmem>>
    %dma_start3A_260 = tpu.memref_squeeze %dma_start3A_259 : memref<1x64xf32, #tpu.memory_space<vmem>> -> memref<64xf32, #tpu.memory_space<vmem>>
    %dma_start3A_261 = arith.constant 0 : i32
    %dma_start3A_262 = tpu.memref_slice %arg2[%squeeze3A_250, %dma_start3A_261] : memref<100000x64xf32, #tpu.memory_space<hbm>> -> memref<1x64xf32, #tpu.memory_space<hbm>>
    %dma_start3A_263 = tpu.memref_squeeze %dma_start3A_262 : memref<1x64xf32, #tpu.memory_space<hbm>> -> memref<64xf32, #tpu.memory_space<hbm>>
    tpu.enqueue_dma source(%dma_start3A_263 : memref<64xf32, #tpu.memory_space<hbm>>) target(%dma_start3A_260 : memref<64xf32, #tpu.memory_space<vmem>>) target_semaphore(%arg7 : memref<!tpu.dma_semaphore, #tpu.memory_space<semaphore_mem>>)
    %slice3A_264 = vector.extract_strided_slice %convert_element_type3A_248 {offsets = [1], sizes = [1], strides = [1]} : vector<16xi32> to vector<1xi32>
    %squeeze3A_265 = vector.extract %slice3A_264[0] : i32 from vector<1xi32>
    %dma_start3A_266 = arith.constant 17 : i32
    %dma_start3A_267 = arith.constant 0 : i32
    %dma_start3A_268 = tpu.memref_slice %arg6[%dma_start3A_266, %dma_start3A_267] : memref<32x64xf32, #tpu.memory_space<vmem>> -> memref<1x64xf32, #tpu.memory_space<vmem>>
    %dma_start3A_269 = tpu.memref_squeeze %dma_start3A_268 : memref<1x64xf32, #tpu.memory_space<vmem>> -> memref<64xf32, #tpu.memory_space<vmem>>
    %dma_start3A_270 = arith.constant 0 : i32
    %dma_start3A_271 = tpu.memref_slice %arg2[%squeeze3A_265, %dma_start3A_270] : memref<100000x64xf32, #tpu.memory_space<hbm>> -> memref<1x64xf32, #tpu.memory_space<hbm>>
    %dma_start3A_272 = tpu.memref_squeeze %dma_start3A_271 : memref<1x64xf32, #tpu.memory_space<hbm>> -> memref<64xf32, #tpu.memory_space<hbm>>
    %dma_start3A_273 = arith.constant 0 : i32
    %dma_start3A_274 = tpu.memref_slice %arg6[%dma_start3A_266, %dma_start3A_273] : memref<32x64xf32, #tpu.memory_space<vmem>> -> memref<1x64xf32, #tpu.memory_space<vmem>>
    %dma_start3A_275 = tpu.memref_squeeze %dma_start3A_274 : memref<1x64xf32, #tpu.memory_space<vmem>> -> memref<64xf32, #tpu.memory_space<vmem>>
    %dma_start3A_276 = arith.constant 0 : i32
    %dma_start3A_277 = tpu.memref_slice %arg2[%squeeze3A_265, %dma_start3A_276] : memref<100000x64xf32, #tpu.memory_space<hbm>> -> memref<1x64xf32, #tpu.memory_space<hbm>>
    %dma_start3A_278 = tpu.memref_squeeze %dma_start3A_277 : memref<1x64xf32, #tpu.memory_space<hbm>> -> memref<64xf32, #tpu.memory_space<hbm>>
    tpu.enqueue_dma source(%dma_start3A_278 : memref<64xf32, #tpu.memory_space<hbm>>) target(%dma_start3A_275 : memref<64xf32, #tpu.memory_space<vmem>>) target_semaphore(%arg7 : memref<!tpu.dma_semaphore, #tpu.memory_space<semaphore_mem>>)
    %slice3A_279 = vector.extract_strided_slice %convert_element_type3A_248 {offsets = [2], sizes = [1], strides = [1]} : vector<16xi32> to vector<1xi32>
    %squeeze3A_280 = vector.extract %slice3A_279[0] : i32 from vector<1xi32>
    %dma_start3A_281 = arith.constant 18 : i32
    %dma_start3A_282 = arith.constant 0 : i32
    %dma_start3A_283 = tpu.memref_slice %arg6[%dma_start3A_281, %dma_start3A_282] : memref<32x64xf32, #tpu.memory_space<vmem>> -> memref<1x64xf32, #tpu.memory_space<vmem>>
    %dma_start3A_284 = tpu.memref_squeeze %dma_start3A_283 : memref<1x64xf32, #tpu.memory_space<vmem>> -> memref<64xf32, #tpu.memory_space<vmem>>
    %dma_start3A_285 = arith.constant 0 : i32
    %dma_start3A_286 = tpu.memref_slice %arg2[%squeeze3A_280, %dma_start3A_285] : memref<100000x64xf32, #tpu.memory_space<hbm>> -> memref<1x64xf32, #tpu.memory_space<hbm>>
    %dma_start3A_287 = tpu.memref_squeeze %dma_start3A_286 : memref<1x64xf32, #tpu.memory_space<hbm>> -> memref<64xf32, #tpu.memory_space<hbm>>
    %dma_start3A_288 = arith.constant 0 : i32
    %dma_start3A_289 = tpu.memref_slice %arg6[%dma_start3A_281, %dma_start3A_288] : memref<32x64xf32, #tpu.memory_space<vmem>> -> memref<1x64xf32, #tpu.memory_space<vmem>>
    %dma_start3A_290 = tpu.memref_squeeze %dma_start3A_289 : memref<1x64xf32, #tpu.memory_space<vmem>> -> memref<64xf32, #tpu.memory_space<vmem>>
    %dma_start3A_291 = arith.constant 0 : i32
    %dma_start3A_292 = tpu.memref_slice %arg2[%squeeze3A_280, %dma_start3A_291] : memref<100000x64xf32, #tpu.memory_space<hbm>> -> memref<1x64xf32, #tpu.memory_space<hbm>>
    %dma_start3A_293 = tpu.memref_squeeze %dma_start3A_292 : memref<1x64xf32, #tpu.memory_space<hbm>> -> memref<64xf32, #tpu.memory_space<hbm>>
    tpu.enqueue_dma source(%dma_start3A_293 : memref<64xf32, #tpu.memory_space<hbm>>) target(%dma_start3A_290 : memref<64xf32, #tpu.memory_space<vmem>>) target_semaphore(%arg7 : memref<!tpu.dma_semaphore, #tpu.memory_space<semaphore_mem>>)
    %slice3A_294 = vector.extract_strided_slice %convert_element_type3A_248 {offsets = [3], sizes = [1], strides = [1]} : vector<16xi32> to vector<1xi32>
    %squeeze3A_295 = vector.extract %slice3A_294[0] : i32 from vector<1xi32>
    %dma_start3A_296 = arith.constant 19 : i32
    %dma_start3A_297 = arith.constant 0 : i32
    %dma_start3A_298 = tpu.memref_slice %arg6[%dma_start3A_296, %dma_start3A_297] : memref<32x64xf32, #tpu.memory_space<vmem>> -> memref<1x64xf32, #tpu.memory_space<vmem>>
    %dma_start3A_299 = tpu.memref_squeeze %dma_start3A_298 : memref<1x64xf32, #tpu.memory_space<vmem>> -> memref<64xf32, #tpu.memory_space<vmem>>
    %dma_start3A_300 = arith.constant 0 : i32
    %dma_start3A_301 = tpu.memref_slice %arg2[%squeeze3A_295, %dma_start3A_300] : memref<100000x64xf32, #tpu.memory_space<hbm>> -> memref<1x64xf32, #tpu.memory_space<hbm>>
    %dma_start3A_302 = tpu.memref_squeeze %dma_start3A_301 : memref<1x64xf32, #tpu.memory_space<hbm>> -> memref<64xf32, #tpu.memory_space<hbm>>
    %dma_start3A_303 = arith.constant 0 : i32
    %dma_start3A_304 = tpu.memref_slice %arg6[%dma_start3A_296, %dma_start3A_303] : memref<32x64xf32, #tpu.memory_space<vmem>> -> memref<1x64xf32, #tpu.memory_space<vmem>>
    %dma_start3A_305 = tpu.memref_squeeze %dma_start3A_304 : memref<1x64xf32, #tpu.memory_space<vmem>> -> memref<64xf32, #tpu.memory_space<vmem>>
    %dma_start3A_306 = arith.constant 0 : i32
    %dma_start3A_307 = tpu.memref_slice %arg2[%squeeze3A_295, %dma_start3A_306] : memref<100000x64xf32, #tpu.memory_space<hbm>> -> memref<1x64xf32, #tpu.memory_space<hbm>>
    %dma_start3A_308 = tpu.memref_squeeze %dma_start3A_307 : memref<1x64xf32, #tpu.memory_space<hbm>> -> memref<64xf32, #tpu.memory_space<hbm>>
    tpu.enqueue_dma source(%dma_start3A_308 : memref<64xf32, #tpu.memory_space<hbm>>) target(%dma_start3A_305 : memref<64xf32, #tpu.memory_space<vmem>>) target_semaphore(%arg7 : memref<!tpu.dma_semaphore, #tpu.memory_space<semaphore_mem>>)
    %slice3A_309 = vector.extract_strided_slice %convert_element_type3A_248 {offsets = [4], sizes = [1], strides = [1]} : vector<16xi32> to vector<1xi32>
    %squeeze3A_310 = vector.extract %slice3A_309[0] : i32 from vector<1xi32>
    %dma_start3A_311 = arith.constant 20 : i32
    %dma_start3A_312 = arith.constant 0 : i32
    %dma_start3A_313 = tpu.memref_slice %arg6[%dma_start3A_311, %dma_start3A_312] : memref<32x64xf32, #tpu.memory_space<vmem>> -> memref<1x64xf32, #tpu.memory_space<vmem>>
    %dma_start3A_314 = tpu.memref_squeeze %dma_start3A_313 : memref<1x64xf32, #tpu.memory_space<vmem>> -> memref<64xf32, #tpu.memory_space<vmem>>
    %dma_start3A_315 = arith.constant 0 : i32
    %dma_start3A_316 = tpu.memref_slice %arg2[%squeeze3A_310, %dma_start3A_315] : memref<100000x64xf32, #tpu.memory_space<hbm>> -> memref<1x64xf32, #tpu.memory_space<hbm>>
    %dma_start3A_317 = tpu.memref_squeeze %dma_start3A_316 : memref<1x64xf32, #tpu.memory_space<hbm>> -> memref<64xf32, #tpu.memory_space<hbm>>
    %dma_start3A_318 = arith.constant 0 : i32
    %dma_start3A_319 = tpu.memref_slice %arg6[%dma_start3A_311, %dma_start3A_318] : memref<32x64xf32, #tpu.memory_space<vmem>> -> memref<1x64xf32, #tpu.memory_space<vmem>>
    %dma_start3A_320 = tpu.memref_squeeze %dma_start3A_319 : memref<1x64xf32, #tpu.memory_space<vmem>> -> memref<64xf32, #tpu.memory_space<vmem>>
    %dma_start3A_321 = arith.constant 0 : i32
    %dma_start3A_322 = tpu.memref_slice %arg2[%squeeze3A_310, %dma_start3A_321] : memref<100000x64xf32, #tpu.memory_space<hbm>> -> memref<1x64xf32, #tpu.memory_space<hbm>>
    %dma_start3A_323 = tpu.memref_squeeze %dma_start3A_322 : memref<1x64xf32, #tpu.memory_space<hbm>> -> memref<64xf32, #tpu.memory_space<hbm>>
    tpu.enqueue_dma source(%dma_start3A_323 : memref<64xf32, #tpu.memory_space<hbm>>) target(%dma_start3A_320 : memref<64xf32, #tpu.memory_space<vmem>>) target_semaphore(%arg7 : memref<!tpu.dma_semaphore, #tpu.memory_space<semaphore_mem>>)
    %slice3A_324 = vector.extract_strided_slice %convert_element_type3A_248 {offsets = [5], sizes = [1], strides = [1]} : vector<16xi32> to vector<1xi32>
    %squeeze3A_325 = vector.extract %slice3A_324[0] : i32 from vector<1xi32>
    %dma_start3A_326 = arith.constant 21 : i32
    %dma_start3A_327 = arith.constant 0 : i32
    %dma_start3A_328 = tpu.memref_slice %arg6[%dma_start3A_326, %dma_start3A_327] : memref<32x64xf32, #tpu.memory_space<vmem>> -> memref<1x64xf32, #tpu.memory_space<vmem>>
    %dma_start3A_329 = tpu.memref_squeeze %dma_start3A_328 : memref<1x64xf32, #tpu.memory_space<vmem>> -> memref<64xf32, #tpu.memory_space<vmem>>
    %dma_start3A_330 = arith.constant 0 : i32
    %dma_start3A_331 = tpu.memref_slice %arg2[%squeeze3A_325, %dma_start3A_330] : memref<100000x64xf32, #tpu.memory_space<hbm>> -> memref<1x64xf32, #tpu.memory_space<hbm>>
    %dma_start3A_332 = tpu.memref_squeeze %dma_start3A_331 : memref<1x64xf32, #tpu.memory_space<hbm>> -> memref<64xf32, #tpu.memory_space<hbm>>
    %dma_start3A_333 = arith.constant 0 : i32
    %dma_start3A_334 = tpu.memref_slice %arg6[%dma_start3A_326, %dma_start3A_333] : memref<32x64xf32, #tpu.memory_space<vmem>> -> memref<1x64xf32, #tpu.memory_space<vmem>>
    %dma_start3A_335 = tpu.memref_squeeze %dma_start3A_334 : memref<1x64xf32, #tpu.memory_space<vmem>> -> memref<64xf32, #tpu.memory_space<vmem>>
    %dma_start3A_336 = arith.constant 0 : i32
    %dma_start3A_337 = tpu.memref_slice %arg2[%squeeze3A_325, %dma_start3A_336] : memref<100000x64xf32, #tpu.memory_space<hbm>> -> memref<1x64xf32, #tpu.memory_space<hbm>>
    %dma_start3A_338 = tpu.memref_squeeze %dma_start3A_337 : memref<1x64xf32, #tpu.memory_space<hbm>> -> memref<64xf32, #tpu.memory_space<hbm>>
    tpu.enqueue_dma source(%dma_start3A_338 : memref<64xf32, #tpu.memory_space<hbm>>) target(%dma_start3A_335 : memref<64xf32, #tpu.memory_space<vmem>>) target_semaphore(%arg7 : memref<!tpu.dma_semaphore, #tpu.memory_space<semaphore_mem>>)
    %slice3A_339 = vector.extract_strided_slice %convert_element_type3A_248 {offsets = [6], sizes = [1], strides = [1]} : vector<16xi32> to vector<1xi32>
    %squeeze3A_340 = vector.extract %slice3A_339[0] : i32 from vector<1xi32>
    %dma_start3A_341 = arith.constant 22 : i32
    %dma_start3A_342 = arith.constant 0 : i32
    %dma_start3A_343 = tpu.memref_slice %arg6[%dma_start3A_341, %dma_start3A_342] : memref<32x64xf32, #tpu.memory_space<vmem>> -> memref<1x64xf32, #tpu.memory_space<vmem>>
    %dma_start3A_344 = tpu.memref_squeeze %dma_start3A_343 : memref<1x64xf32, #tpu.memory_space<vmem>> -> memref<64xf32, #tpu.memory_space<vmem>>
    %dma_start3A_345 = arith.constant 0 : i32
    %dma_start3A_346 = tpu.memref_slice %arg2[%squeeze3A_340, %dma_start3A_345] : memref<100000x64xf32, #tpu.memory_space<hbm>> -> memref<1x64xf32, #tpu.memory_space<hbm>>
    %dma_start3A_347 = tpu.memref_squeeze %dma_start3A_346 : memref<1x64xf32, #tpu.memory_space<hbm>> -> memref<64xf32, #tpu.memory_space<hbm>>
    %dma_start3A_348 = arith.constant 0 : i32
    %dma_start3A_349 = tpu.memref_slice %arg6[%dma_start3A_341, %dma_start3A_348] : memref<32x64xf32, #tpu.memory_space<vmem>> -> memref<1x64xf32, #tpu.memory_space<vmem>>
    %dma_start3A_350 = tpu.memref_squeeze %dma_start3A_349 : memref<1x64xf32, #tpu.memory_space<vmem>> -> memref<64xf32, #tpu.memory_space<vmem>>
    %dma_start3A_351 = arith.constant 0 : i32
    %dma_start3A_352 = tpu.memref_slice %arg2[%squeeze3A_340, %dma_start3A_351] : memref<100000x64xf32, #tpu.memory_space<hbm>> -> memref<1x64xf32, #tpu.memory_space<hbm>>
    %dma_start3A_353 = tpu.memref_squeeze %dma_start3A_352 : memref<1x64xf32, #tpu.memory_space<hbm>> -> memref<64xf32, #tpu.memory_space<hbm>>
    tpu.enqueue_dma source(%dma_start3A_353 : memref<64xf32, #tpu.memory_space<hbm>>) target(%dma_start3A_350 : memref<64xf32, #tpu.memory_space<vmem>>) target_semaphore(%arg7 : memref<!tpu.dma_semaphore, #tpu.memory_space<semaphore_mem>>)
    %slice3A_354 = vector.extract_strided_slice %convert_element_type3A_248 {offsets = [7], sizes = [1], strides = [1]} : vector<16xi32> to vector<1xi32>
    %squeeze3A_355 = vector.extract %slice3A_354[0] : i32 from vector<1xi32>
    %dma_start3A_356 = arith.constant 23 : i32
    %dma_start3A_357 = arith.constant 0 : i32
    %dma_start3A_358 = tpu.memref_slice %arg6[%dma_start3A_356, %dma_start3A_357] : memref<32x64xf32, #tpu.memory_space<vmem>> -> memref<1x64xf32, #tpu.memory_space<vmem>>
    %dma_start3A_359 = tpu.memref_squeeze %dma_start3A_358 : memref<1x64xf32, #tpu.memory_space<vmem>> -> memref<64xf32, #tpu.memory_space<vmem>>
    %dma_start3A_360 = arith.constant 0 : i32
    %dma_start3A_361 = tpu.memref_slice %arg2[%squeeze3A_355, %dma_start3A_360] : memref<100000x64xf32, #tpu.memory_space<hbm>> -> memref<1x64xf32, #tpu.memory_space<hbm>>
    %dma_start3A_362 = tpu.memref_squeeze %dma_start3A_361 : memref<1x64xf32, #tpu.memory_space<hbm>> -> memref<64xf32, #tpu.memory_space<hbm>>
    %dma_start3A_363 = arith.constant 0 : i32
    %dma_start3A_364 = tpu.memref_slice %arg6[%dma_start3A_356, %dma_start3A_363] : memref<32x64xf32, #tpu.memory_space<vmem>> -> memref<1x64xf32, #tpu.memory_space<vmem>>
    %dma_start3A_365 = tpu.memref_squeeze %dma_start3A_364 : memref<1x64xf32, #tpu.memory_space<vmem>> -> memref<64xf32, #tpu.memory_space<vmem>>
    %dma_start3A_366 = arith.constant 0 : i32
    %dma_start3A_367 = tpu.memref_slice %arg2[%squeeze3A_355, %dma_start3A_366] : memref<100000x64xf32, #tpu.memory_space<hbm>> -> memref<1x64xf32, #tpu.memory_space<hbm>>
    %dma_start3A_368 = tpu.memref_squeeze %dma_start3A_367 : memref<1x64xf32, #tpu.memory_space<hbm>> -> memref<64xf32, #tpu.memory_space<hbm>>
    tpu.enqueue_dma source(%dma_start3A_368 : memref<64xf32, #tpu.memory_space<hbm>>) target(%dma_start3A_365 : memref<64xf32, #tpu.memory_space<vmem>>) target_semaphore(%arg7 : memref<!tpu.dma_semaphore, #tpu.memory_space<semaphore_mem>>)
    %slice3A_369 = vector.extract_strided_slice %convert_element_type3A_248 {offsets = [8], sizes = [1], strides = [1]} : vector<16xi32> to vector<1xi32>
    %squeeze3A_370 = vector.extract %slice3A_369[0] : i32 from vector<1xi32>
    %dma_start3A_371 = arith.constant 24 : i32
    %dma_start3A_372 = arith.constant 0 : i32
    %dma_start3A_373 = tpu.memref_slice %arg6[%dma_start3A_371, %dma_start3A_372] : memref<32x64xf32, #tpu.memory_space<vmem>> -> memref<1x64xf32, #tpu.memory_space<vmem>>
    %dma_start3A_374 = tpu.memref_squeeze %dma_start3A_373 : memref<1x64xf32, #tpu.memory_space<vmem>> -> memref<64xf32, #tpu.memory_space<vmem>>
    %dma_start3A_375 = arith.constant 0 : i32
    %dma_start3A_376 = tpu.memref_slice %arg2[%squeeze3A_370, %dma_start3A_375] : memref<100000x64xf32, #tpu.memory_space<hbm>> -> memref<1x64xf32, #tpu.memory_space<hbm>>
    %dma_start3A_377 = tpu.memref_squeeze %dma_start3A_376 : memref<1x64xf32, #tpu.memory_space<hbm>> -> memref<64xf32, #tpu.memory_space<hbm>>
    %dma_start3A_378 = arith.constant 0 : i32
    %dma_start3A_379 = tpu.memref_slice %arg6[%dma_start3A_371, %dma_start3A_378] : memref<32x64xf32, #tpu.memory_space<vmem>> -> memref<1x64xf32, #tpu.memory_space<vmem>>
    %dma_start3A_380 = tpu.memref_squeeze %dma_start3A_379 : memref<1x64xf32, #tpu.memory_space<vmem>> -> memref<64xf32, #tpu.memory_space<vmem>>
    %dma_start3A_381 = arith.constant 0 : i32
    %dma_start3A_382 = tpu.memref_slice %arg2[%squeeze3A_370, %dma_start3A_381] : memref<100000x64xf32, #tpu.memory_space<hbm>> -> memref<1x64xf32, #tpu.memory_space<hbm>>
    %dma_start3A_383 = tpu.memref_squeeze %dma_start3A_382 : memref<1x64xf32, #tpu.memory_space<hbm>> -> memref<64xf32, #tpu.memory_space<hbm>>
    tpu.enqueue_dma source(%dma_start3A_383 : memref<64xf32, #tpu.memory_space<hbm>>) target(%dma_start3A_380 : memref<64xf32, #tpu.memory_space<vmem>>) target_semaphore(%arg7 : memref<!tpu.dma_semaphore, #tpu.memory_space<semaphore_mem>>)
    %slice3A_384 = vector.extract_strided_slice %convert_element_type3A_248 {offsets = [9], sizes = [1], strides = [1]} : vector<16xi32> to vector<1xi32>
    %squeeze3A_385 = vector.extract %slice3A_384[0] : i32 from vector<1xi32>
    %dma_start3A_386 = arith.constant 25 : i32
    %dma_start3A_387 = arith.constant 0 : i32
    %dma_start3A_388 = tpu.memref_slice %arg6[%dma_start3A_386, %dma_start3A_387] : memref<32x64xf32, #tpu.memory_space<vmem>> -> memref<1x64xf32, #tpu.memory_space<vmem>>
    %dma_start3A_389 = tpu.memref_squeeze %dma_start3A_388 : memref<1x64xf32, #tpu.memory_space<vmem>> -> memref<64xf32, #tpu.memory_space<vmem>>
    %dma_start3A_390 = arith.constant 0 : i32
    %dma_start3A_391 = tpu.memref_slice %arg2[%squeeze3A_385, %dma_start3A_390] : memref<100000x64xf32, #tpu.memory_space<hbm>> -> memref<1x64xf32, #tpu.memory_space<hbm>>
    %dma_start3A_392 = tpu.memref_squeeze %dma_start3A_391 : memref<1x64xf32, #tpu.memory_space<hbm>> -> memref<64xf32, #tpu.memory_space<hbm>>
    %dma_start3A_393 = arith.constant 0 : i32
    %dma_start3A_394 = tpu.memref_slice %arg6[%dma_start3A_386, %dma_start3A_393] : memref<32x64xf32, #tpu.memory_space<vmem>> -> memref<1x64xf32, #tpu.memory_space<vmem>>
    %dma_start3A_395 = tpu.memref_squeeze %dma_start3A_394 : memref<1x64xf32, #tpu.memory_space<vmem>> -> memref<64xf32, #tpu.memory_space<vmem>>
    %dma_start3A_396 = arith.constant 0 : i32
    %dma_start3A_397 = tpu.memref_slice %arg2[%squeeze3A_385, %dma_start3A_396] : memref<100000x64xf32, #tpu.memory_space<hbm>> -> memref<1x64xf32, #tpu.memory_space<hbm>>
    %dma_start3A_398 = tpu.memref_squeeze %dma_start3A_397 : memref<1x64xf32, #tpu.memory_space<hbm>> -> memref<64xf32, #tpu.memory_space<hbm>>
    tpu.enqueue_dma source(%dma_start3A_398 : memref<64xf32, #tpu.memory_space<hbm>>) target(%dma_start3A_395 : memref<64xf32, #tpu.memory_space<vmem>>) target_semaphore(%arg7 : memref<!tpu.dma_semaphore, #tpu.memory_space<semaphore_mem>>)
    %slice3A_399 = vector.extract_strided_slice %convert_element_type3A_248 {offsets = [10], sizes = [1], strides = [1]} : vector<16xi32> to vector<1xi32>
    %squeeze3A_400 = vector.extract %slice3A_399[0] : i32 from vector<1xi32>
    %dma_start3A_401 = arith.constant 26 : i32
    %dma_start3A_402 = arith.constant 0 : i32
    %dma_start3A_403 = tpu.memref_slice %arg6[%dma_start3A_401, %dma_start3A_402] : memref<32x64xf32, #tpu.memory_space<vmem>> -> memref<1x64xf32, #tpu.memory_space<vmem>>
    %dma_start3A_404 = tpu.memref_squeeze %dma_start3A_403 : memref<1x64xf32, #tpu.memory_space<vmem>> -> memref<64xf32, #tpu.memory_space<vmem>>
    %dma_start3A_405 = arith.constant 0 : i32
    %dma_start3A_406 = tpu.memref_slice %arg2[%squeeze3A_400, %dma_start3A_405] : memref<100000x64xf32, #tpu.memory_space<hbm>> -> memref<1x64xf32, #tpu.memory_space<hbm>>
    %dma_start3A_407 = tpu.memref_squeeze %dma_start3A_406 : memref<1x64xf32, #tpu.memory_space<hbm>> -> memref<64xf32, #tpu.memory_space<hbm>>
    %dma_start3A_408 = arith.constant 0 : i32
    %dma_start3A_409 = tpu.memref_slice %arg6[%dma_start3A_401, %dma_start3A_408] : memref<32x64xf32, #tpu.memory_space<vmem>> -> memref<1x64xf32, #tpu.memory_space<vmem>>
    %dma_start3A_410 = tpu.memref_squeeze %dma_start3A_409 : memref<1x64xf32, #tpu.memory_space<vmem>> -> memref<64xf32, #tpu.memory_space<vmem>>
    %dma_start3A_411 = arith.constant 0 : i32
    %dma_start3A_412 = tpu.memref_slice %arg2[%squeeze3A_400, %dma_start3A_411] : memref<100000x64xf32, #tpu.memory_space<hbm>> -> memref<1x64xf32, #tpu.memory_space<hbm>>
    %dma_start3A_413 = tpu.memref_squeeze %dma_start3A_412 : memref<1x64xf32, #tpu.memory_space<hbm>> -> memref<64xf32, #tpu.memory_space<hbm>>
    tpu.enqueue_dma source(%dma_start3A_413 : memref<64xf32, #tpu.memory_space<hbm>>) target(%dma_start3A_410 : memref<64xf32, #tpu.memory_space<vmem>>) target_semaphore(%arg7 : memref<!tpu.dma_semaphore, #tpu.memory_space<semaphore_mem>>)
    %slice3A_414 = vector.extract_strided_slice %convert_element_type3A_248 {offsets = [11], sizes = [1], strides = [1]} : vector<16xi32> to vector<1xi32>
    %squeeze3A_415 = vector.extract %slice3A_414[0] : i32 from vector<1xi32>
    %dma_start3A_416 = arith.constant 27 : i32
    %dma_start3A_417 = arith.constant 0 : i32
    %dma_start3A_418 = tpu.memref_slice %arg6[%dma_start3A_416, %dma_start3A_417] : memref<32x64xf32, #tpu.memory_space<vmem>> -> memref<1x64xf32, #tpu.memory_space<vmem>>
    %dma_start3A_419 = tpu.memref_squeeze %dma_start3A_418 : memref<1x64xf32, #tpu.memory_space<vmem>> -> memref<64xf32, #tpu.memory_space<vmem>>
    %dma_start3A_420 = arith.constant 0 : i32
    %dma_start3A_421 = tpu.memref_slice %arg2[%squeeze3A_415, %dma_start3A_420] : memref<100000x64xf32, #tpu.memory_space<hbm>> -> memref<1x64xf32, #tpu.memory_space<hbm>>
    %dma_start3A_422 = tpu.memref_squeeze %dma_start3A_421 : memref<1x64xf32, #tpu.memory_space<hbm>> -> memref<64xf32, #tpu.memory_space<hbm>>
    %dma_start3A_423 = arith.constant 0 : i32
    %dma_start3A_424 = tpu.memref_slice %arg6[%dma_start3A_416, %dma_start3A_423] : memref<32x64xf32, #tpu.memory_space<vmem>> -> memref<1x64xf32, #tpu.memory_space<vmem>>
    %dma_start3A_425 = tpu.memref_squeeze %dma_start3A_424 : memref<1x64xf32, #tpu.memory_space<vmem>> -> memref<64xf32, #tpu.memory_space<vmem>>
    %dma_start3A_426 = arith.constant 0 : i32
    %dma_start3A_427 = tpu.memref_slice %arg2[%squeeze3A_415, %dma_start3A_426] : memref<100000x64xf32, #tpu.memory_space<hbm>> -> memref<1x64xf32, #tpu.memory_space<hbm>>
    %dma_start3A_428 = tpu.memref_squeeze %dma_start3A_427 : memref<1x64xf32, #tpu.memory_space<hbm>> -> memref<64xf32, #tpu.memory_space<hbm>>
    tpu.enqueue_dma source(%dma_start3A_428 : memref<64xf32, #tpu.memory_space<hbm>>) target(%dma_start3A_425 : memref<64xf32, #tpu.memory_space<vmem>>) target_semaphore(%arg7 : memref<!tpu.dma_semaphore, #tpu.memory_space<semaphore_mem>>)
    %slice3A_429 = vector.extract_strided_slice %convert_element_type3A_248 {offsets = [12], sizes = [1], strides = [1]} : vector<16xi32> to vector<1xi32>
    %squeeze3A_430 = vector.extract %slice3A_429[0] : i32 from vector<1xi32>
    %dma_start3A_431 = arith.constant 28 : i32
    %dma_start3A_432 = arith.constant 0 : i32
    %dma_start3A_433 = tpu.memref_slice %arg6[%dma_start3A_431, %dma_start3A_432] : memref<32x64xf32, #tpu.memory_space<vmem>> -> memref<1x64xf32, #tpu.memory_space<vmem>>
    %dma_start3A_434 = tpu.memref_squeeze %dma_start3A_433 : memref<1x64xf32, #tpu.memory_space<vmem>> -> memref<64xf32, #tpu.memory_space<vmem>>
    %dma_start3A_435 = arith.constant 0 : i32
    %dma_start3A_436 = tpu.memref_slice %arg2[%squeeze3A_430, %dma_start3A_435] : memref<100000x64xf32, #tpu.memory_space<hbm>> -> memref<1x64xf32, #tpu.memory_space<hbm>>
    %dma_start3A_437 = tpu.memref_squeeze %dma_start3A_436 : memref<1x64xf32, #tpu.memory_space<hbm>> -> memref<64xf32, #tpu.memory_space<hbm>>
    %dma_start3A_438 = arith.constant 0 : i32
    %dma_start3A_439 = tpu.memref_slice %arg6[%dma_start3A_431, %dma_start3A_438] : memref<32x64xf32, #tpu.memory_space<vmem>> -> memref<1x64xf32, #tpu.memory_space<vmem>>
    %dma_start3A_440 = tpu.memref_squeeze %dma_start3A_439 : memref<1x64xf32, #tpu.memory_space<vmem>> -> memref<64xf32, #tpu.memory_space<vmem>>
    %dma_start3A_441 = arith.constant 0 : i32
    %dma_start3A_442 = tpu.memref_slice %arg2[%squeeze3A_430, %dma_start3A_441] : memref<100000x64xf32, #tpu.memory_space<hbm>> -> memref<1x64xf32, #tpu.memory_space<hbm>>
    %dma_start3A_443 = tpu.memref_squeeze %dma_start3A_442 : memref<1x64xf32, #tpu.memory_space<hbm>> -> memref<64xf32, #tpu.memory_space<hbm>>
    tpu.enqueue_dma source(%dma_start3A_443 : memref<64xf32, #tpu.memory_space<hbm>>) target(%dma_start3A_440 : memref<64xf32, #tpu.memory_space<vmem>>) target_semaphore(%arg7 : memref<!tpu.dma_semaphore, #tpu.memory_space<semaphore_mem>>)
    %slice3A_444 = vector.extract_strided_slice %convert_element_type3A_248 {offsets = [13], sizes = [1], strides = [1]} : vector<16xi32> to vector<1xi32>
    %squeeze3A_445 = vector.extract %slice3A_444[0] : i32 from vector<1xi32>
    %dma_start3A_446 = arith.constant 29 : i32
    %dma_start3A_447 = arith.constant 0 : i32
    %dma_start3A_448 = tpu.memref_slice %arg6[%dma_start3A_446, %dma_start3A_447] : memref<32x64xf32, #tpu.memory_space<vmem>> -> memref<1x64xf32, #tpu.memory_space<vmem>>
    %dma_start3A_449 = tpu.memref_squeeze %dma_start3A_448 : memref<1x64xf32, #tpu.memory_space<vmem>> -> memref<64xf32, #tpu.memory_space<vmem>>
    %dma_start3A_450 = arith.constant 0 : i32
    %dma_start3A_451 = tpu.memref_slice %arg2[%squeeze3A_445, %dma_start3A_450] : memref<100000x64xf32, #tpu.memory_space<hbm>> -> memref<1x64xf32, #tpu.memory_space<hbm>>
    %dma_start3A_452 = tpu.memref_squeeze %dma_start3A_451 : memref<1x64xf32, #tpu.memory_space<hbm>> -> memref<64xf32, #tpu.memory_space<hbm>>
    %dma_start3A_453 = arith.constant 0 : i32
    %dma_start3A_454 = tpu.memref_slice %arg6[%dma_start3A_446, %dma_start3A_453] : memref<32x64xf32, #tpu.memory_space<vmem>> -> memref<1x64xf32, #tpu.memory_space<vmem>>
    %dma_start3A_455 = tpu.memref_squeeze %dma_start3A_454 : memref<1x64xf32, #tpu.memory_space<vmem>> -> memref<64xf32, #tpu.memory_space<vmem>>
    %dma_start3A_456 = arith.constant 0 : i32
    %dma_start3A_457 = tpu.memref_slice %arg2[%squeeze3A_445, %dma_start3A_456] : memref<100000x64xf32, #tpu.memory_space<hbm>> -> memref<1x64xf32, #tpu.memory_space<hbm>>
    %dma_start3A_458 = tpu.memref_squeeze %dma_start3A_457 : memref<1x64xf32, #tpu.memory_space<hbm>> -> memref<64xf32, #tpu.memory_space<hbm>>
    tpu.enqueue_dma source(%dma_start3A_458 : memref<64xf32, #tpu.memory_space<hbm>>) target(%dma_start3A_455 : memref<64xf32, #tpu.memory_space<vmem>>) target_semaphore(%arg7 : memref<!tpu.dma_semaphore, #tpu.memory_space<semaphore_mem>>)
    %slice3A_459 = vector.extract_strided_slice %convert_element_type3A_248 {offsets = [14], sizes = [1], strides = [1]} : vector<16xi32> to vector<1xi32>
    %squeeze3A_460 = vector.extract %slice3A_459[0] : i32 from vector<1xi32>
    %dma_start3A_461 = arith.constant 30 : i32
    %dma_start3A_462 = arith.constant 0 : i32
    %dma_start3A_463 = tpu.memref_slice %arg6[%dma_start3A_461, %dma_start3A_462] : memref<32x64xf32, #tpu.memory_space<vmem>> -> memref<1x64xf32, #tpu.memory_space<vmem>>
    %dma_start3A_464 = tpu.memref_squeeze %dma_start3A_463 : memref<1x64xf32, #tpu.memory_space<vmem>> -> memref<64xf32, #tpu.memory_space<vmem>>
    %dma_start3A_465 = arith.constant 0 : i32
    %dma_start3A_466 = tpu.memref_slice %arg2[%squeeze3A_460, %dma_start3A_465] : memref<100000x64xf32, #tpu.memory_space<hbm>> -> memref<1x64xf32, #tpu.memory_space<hbm>>
    %dma_start3A_467 = tpu.memref_squeeze %dma_start3A_466 : memref<1x64xf32, #tpu.memory_space<hbm>> -> memref<64xf32, #tpu.memory_space<hbm>>
    %dma_start3A_468 = arith.constant 0 : i32
    %dma_start3A_469 = tpu.memref_slice %arg6[%dma_start3A_461, %dma_start3A_468] : memref<32x64xf32, #tpu.memory_space<vmem>> -> memref<1x64xf32, #tpu.memory_space<vmem>>
    %dma_start3A_470 = tpu.memref_squeeze %dma_start3A_469 : memref<1x64xf32, #tpu.memory_space<vmem>> -> memref<64xf32, #tpu.memory_space<vmem>>
    %dma_start3A_471 = arith.constant 0 : i32
    %dma_start3A_472 = tpu.memref_slice %arg2[%squeeze3A_460, %dma_start3A_471] : memref<100000x64xf32, #tpu.memory_space<hbm>> -> memref<1x64xf32, #tpu.memory_space<hbm>>
    %dma_start3A_473 = tpu.memref_squeeze %dma_start3A_472 : memref<1x64xf32, #tpu.memory_space<hbm>> -> memref<64xf32, #tpu.memory_space<hbm>>
    tpu.enqueue_dma source(%dma_start3A_473 : memref<64xf32, #tpu.memory_space<hbm>>) target(%dma_start3A_470 : memref<64xf32, #tpu.memory_space<vmem>>) target_semaphore(%arg7 : memref<!tpu.dma_semaphore, #tpu.memory_space<semaphore_mem>>)
    %slice3A_474 = vector.extract_strided_slice %convert_element_type3A_248 {offsets = [15], sizes = [1], strides = [1]} : vector<16xi32> to vector<1xi32>
    %squeeze3A_475 = vector.extract %slice3A_474[0] : i32 from vector<1xi32>
    %dma_start3A_476 = arith.constant 31 : i32
    %dma_start3A_477 = arith.constant 0 : i32
    %dma_start3A_478 = tpu.memref_slice %arg6[%dma_start3A_476, %dma_start3A_477] : memref<32x64xf32, #tpu.memory_space<vmem>> -> memref<1x64xf32, #tpu.memory_space<vmem>>
    %dma_start3A_479 = tpu.memref_squeeze %dma_start3A_478 : memref<1x64xf32, #tpu.memory_space<vmem>> -> memref<64xf32, #tpu.memory_space<vmem>>
    %dma_start3A_480 = arith.constant 0 : i32
    %dma_start3A_481 = tpu.memref_slice %arg2[%squeeze3A_475, %dma_start3A_480] : memref<100000x64xf32, #tpu.memory_space<hbm>> -> memref<1x64xf32, #tpu.memory_space<hbm>>
    %dma_start3A_482 = tpu.memref_squeeze %dma_start3A_481 : memref<1x64xf32, #tpu.memory_space<hbm>> -> memref<64xf32, #tpu.memory_space<hbm>>
    %dma_start3A_483 = arith.constant 0 : i32
    %dma_start3A_484 = tpu.memref_slice %arg6[%dma_start3A_476, %dma_start3A_483] : memref<32x64xf32, #tpu.memory_space<vmem>> -> memref<1x64xf32, #tpu.memory_space<vmem>>
    %dma_start3A_485 = tpu.memref_squeeze %dma_start3A_484 : memref<1x64xf32, #tpu.memory_space<vmem>> -> memref<64xf32, #tpu.memory_space<vmem>>
    %dma_start3A_486 = arith.constant 0 : i32
    %dma_start3A_487 = tpu.memref_slice %arg2[%squeeze3A_475, %dma_start3A_486] : memref<100000x64xf32, #tpu.memory_space<hbm>> -> memref<1x64xf32, #tpu.memory_space<hbm>>
    %dma_start3A_488 = tpu.memref_squeeze %dma_start3A_487 : memref<1x64xf32, #tpu.memory_space<hbm>> -> memref<64xf32, #tpu.memory_space<hbm>>
    tpu.enqueue_dma source(%dma_start3A_488 : memref<64xf32, #tpu.memory_space<hbm>>) target(%dma_start3A_485 : memref<64xf32, #tpu.memory_space<vmem>>) target_semaphore(%arg7 : memref<!tpu.dma_semaphore, #tpu.memory_space<semaphore_mem>>)
    %dma_wait3A = arith.constant 0 : i32
    %dma_wait3A_489 = arith.constant 0 : i32
    %dma_wait3A_490 = tpu.memref_slice %arg6[%dma_wait3A, %dma_wait3A_489] : memref<32x64xf32, #tpu.memory_space<vmem>> -> memref<1x64xf32, #tpu.memory_space<vmem>>
    %dma_wait3A_491 = tpu.memref_squeeze %dma_wait3A_490 : memref<1x64xf32, #tpu.memory_space<vmem>> -> memref<64xf32, #tpu.memory_space<vmem>>
    %dma_wait3A_492 = arith.constant 0 : i32
    %dma_wait3A_493 = tpu.memref_slice %arg2[%squeeze3A, %dma_wait3A_492] : memref<100000x64xf32, #tpu.memory_space<hbm>> -> memref<1x64xf32, #tpu.memory_space<hbm>>
    %dma_wait3A_494 = tpu.memref_squeeze %dma_wait3A_493 : memref<1x64xf32, #tpu.memory_space<hbm>> -> memref<64xf32, #tpu.memory_space<hbm>>
    %dma_wait3A_495 = arith.constant 0 : i32
    %dma_wait3A_496 = tpu.memref_slice %arg6[%dma_wait3A, %dma_wait3A_495] : memref<32x64xf32, #tpu.memory_space<vmem>> -> memref<1x64xf32, #tpu.memory_space<vmem>>
    %dma_wait3A_497 = tpu.memref_squeeze %dma_wait3A_496 : memref<1x64xf32, #tpu.memory_space<vmem>> -> memref<64xf32, #tpu.memory_space<vmem>>
    %dma_wait3A_498 = arith.constant 0 : i32
    %dma_wait3A_499 = tpu.memref_slice %arg2[%squeeze3A, %dma_wait3A_498] : memref<100000x64xf32, #tpu.memory_space<hbm>> -> memref<1x64xf32, #tpu.memory_space<hbm>>
    %dma_wait3A_500 = tpu.memref_squeeze %dma_wait3A_499 : memref<1x64xf32, #tpu.memory_space<hbm>> -> memref<64xf32, #tpu.memory_space<hbm>>
    tpu.wait_dma2 semaphore(%arg7 : memref<!tpu.dma_semaphore, #tpu.memory_space<semaphore_mem>>) src(%dma_wait3A_500 : memref<64xf32, #tpu.memory_space<hbm>>) dst(%dma_wait3A_497 : memref<64xf32, #tpu.memory_space<vmem>>)
    %dma_wait3A_501 = arith.constant 1 : i32
    %dma_wait3A_502 = arith.constant 0 : i32
    %dma_wait3A_503 = tpu.memref_slice %arg6[%dma_wait3A_501, %dma_wait3A_502] : memref<32x64xf32, #tpu.memory_space<vmem>> -> memref<1x64xf32, #tpu.memory_space<vmem>>
    %dma_wait3A_504 = tpu.memref_squeeze %dma_wait3A_503 : memref<1x64xf32, #tpu.memory_space<vmem>> -> memref<64xf32, #tpu.memory_space<vmem>>
    %dma_wait3A_505 = arith.constant 0 : i32
    %dma_wait3A_506 = tpu.memref_slice %arg2[%squeeze3A_20, %dma_wait3A_505] : memref<100000x64xf32, #tpu.memory_space<hbm>> -> memref<1x64xf32, #tpu.memory_space<hbm>>
    %dma_wait3A_507 = tpu.memref_squeeze %dma_wait3A_506 : memref<1x64xf32, #tpu.memory_space<hbm>> -> memref<64xf32, #tpu.memory_space<hbm>>
    %dma_wait3A_508 = arith.constant 0 : i32
    %dma_wait3A_509 = tpu.memref_slice %arg6[%dma_wait3A_501, %dma_wait3A_508] : memref<32x64xf32, #tpu.memory_space<vmem>> -> memref<1x64xf32, #tpu.memory_space<vmem>>
    %dma_wait3A_510 = tpu.memref_squeeze %dma_wait3A_509 : memref<1x64xf32, #tpu.memory_space<vmem>> -> memref<64xf32, #tpu.memory_space<vmem>>
    %dma_wait3A_511 = arith.constant 0 : i32
    %dma_wait3A_512 = tpu.memref_slice %arg2[%squeeze3A_20, %dma_wait3A_511] : memref<100000x64xf32, #tpu.memory_space<hbm>> -> memref<1x64xf32, #tpu.memory_space<hbm>>
    %dma_wait3A_513 = tpu.memref_squeeze %dma_wait3A_512 : memref<1x64xf32, #tpu.memory_space<hbm>> -> memref<64xf32, #tpu.memory_space<hbm>>
    tpu.wait_dma2 semaphore(%arg7 : memref<!tpu.dma_semaphore, #tpu.memory_space<semaphore_mem>>) src(%dma_wait3A_513 : memref<64xf32, #tpu.memory_space<hbm>>) dst(%dma_wait3A_510 : memref<64xf32, #tpu.memory_space<vmem>>)
    %dma_wait3A_514 = arith.constant 2 : i32
    %dma_wait3A_515 = arith.constant 0 : i32
    %dma_wait3A_516 = tpu.memref_slice %arg6[%dma_wait3A_514, %dma_wait3A_515] : memref<32x64xf32, #tpu.memory_space<vmem>> -> memref<1x64xf32, #tpu.memory_space<vmem>>
    %dma_wait3A_517 = tpu.memref_squeeze %dma_wait3A_516 : memref<1x64xf32, #tpu.memory_space<vmem>> -> memref<64xf32, #tpu.memory_space<vmem>>
    %dma_wait3A_518 = arith.constant 0 : i32
    %dma_wait3A_519 = tpu.memref_slice %arg2[%squeeze3A_35, %dma_wait3A_518] : memref<100000x64xf32, #tpu.memory_space<hbm>> -> memref<1x64xf32, #tpu.memory_space<hbm>>
    %dma_wait3A_520 = tpu.memref_squeeze %dma_wait3A_519 : memref<1x64xf32, #tpu.memory_space<hbm>> -> memref<64xf32, #tpu.memory_space<hbm>>
    %dma_wait3A_521 = arith.constant 0 : i32
    %dma_wait3A_522 = tpu.memref_slice %arg6[%dma_wait3A_514, %dma_wait3A_521] : memref<32x64xf32, #tpu.memory_space<vmem>> -> memref<1x64xf32, #tpu.memory_space<vmem>>
    %dma_wait3A_523 = tpu.memref_squeeze %dma_wait3A_522 : memref<1x64xf32, #tpu.memory_space<vmem>> -> memref<64xf32, #tpu.memory_space<vmem>>
    %dma_wait3A_524 = arith.constant 0 : i32
    %dma_wait3A_525 = tpu.memref_slice %arg2[%squeeze3A_35, %dma_wait3A_524] : memref<100000x64xf32, #tpu.memory_space<hbm>> -> memref<1x64xf32, #tpu.memory_space<hbm>>
    %dma_wait3A_526 = tpu.memref_squeeze %dma_wait3A_525 : memref<1x64xf32, #tpu.memory_space<hbm>> -> memref<64xf32, #tpu.memory_space<hbm>>
    tpu.wait_dma2 semaphore(%arg7 : memref<!tpu.dma_semaphore, #tpu.memory_space<semaphore_mem>>) src(%dma_wait3A_526 : memref<64xf32, #tpu.memory_space<hbm>>) dst(%dma_wait3A_523 : memref<64xf32, #tpu.memory_space<vmem>>)
    %dma_wait3A_527 = arith.constant 3 : i32
    %dma_wait3A_528 = arith.constant 0 : i32
    %dma_wait3A_529 = tpu.memref_slice %arg6[%dma_wait3A_527, %dma_wait3A_528] : memref<32x64xf32, #tpu.memory_space<vmem>> -> memref<1x64xf32, #tpu.memory_space<vmem>>
    %dma_wait3A_530 = tpu.memref_squeeze %dma_wait3A_529 : memref<1x64xf32, #tpu.memory_space<vmem>> -> memref<64xf32, #tpu.memory_space<vmem>>
    %dma_wait3A_531 = arith.constant 0 : i32
    %dma_wait3A_532 = tpu.memref_slice %arg2[%squeeze3A_50, %dma_wait3A_531] : memref<100000x64xf32, #tpu.memory_space<hbm>> -> memref<1x64xf32, #tpu.memory_space<hbm>>
    %dma_wait3A_533 = tpu.memref_squeeze %dma_wait3A_532 : memref<1x64xf32, #tpu.memory_space<hbm>> -> memref<64xf32, #tpu.memory_space<hbm>>
    %dma_wait3A_534 = arith.constant 0 : i32
    %dma_wait3A_535 = tpu.memref_slice %arg6[%dma_wait3A_527, %dma_wait3A_534] : memref<32x64xf32, #tpu.memory_space<vmem>> -> memref<1x64xf32, #tpu.memory_space<vmem>>
    %dma_wait3A_536 = tpu.memref_squeeze %dma_wait3A_535 : memref<1x64xf32, #tpu.memory_space<vmem>> -> memref<64xf32, #tpu.memory_space<vmem>>
    %dma_wait3A_537 = arith.constant 0 : i32
    %dma_wait3A_538 = tpu.memref_slice %arg2[%squeeze3A_50, %dma_wait3A_537] : memref<100000x64xf32, #tpu.memory_space<hbm>> -> memref<1x64xf32, #tpu.memory_space<hbm>>
    %dma_wait3A_539 = tpu.memref_squeeze %dma_wait3A_538 : memref<1x64xf32, #tpu.memory_space<hbm>> -> memref<64xf32, #tpu.memory_space<hbm>>
    tpu.wait_dma2 semaphore(%arg7 : memref<!tpu.dma_semaphore, #tpu.memory_space<semaphore_mem>>) src(%dma_wait3A_539 : memref<64xf32, #tpu.memory_space<hbm>>) dst(%dma_wait3A_536 : memref<64xf32, #tpu.memory_space<vmem>>)
    %dma_wait3A_540 = arith.constant 4 : i32
    %dma_wait3A_541 = arith.constant 0 : i32
    %dma_wait3A_542 = tpu.memref_slice %arg6[%dma_wait3A_540, %dma_wait3A_541] : memref<32x64xf32, #tpu.memory_space<vmem>> -> memref<1x64xf32, #tpu.memory_space<vmem>>
    %dma_wait3A_543 = tpu.memref_squeeze %dma_wait3A_542 : memref<1x64xf32, #tpu.memory_space<vmem>> -> memref<64xf32, #tpu.memory_space<vmem>>
    %dma_wait3A_544 = arith.constant 0 : i32
    %dma_wait3A_545 = tpu.memref_slice %arg2[%squeeze3A_65, %dma_wait3A_544] : memref<100000x64xf32, #tpu.memory_space<hbm>> -> memref<1x64xf32, #tpu.memory_space<hbm>>
    %dma_wait3A_546 = tpu.memref_squeeze %dma_wait3A_545 : memref<1x64xf32, #tpu.memory_space<hbm>> -> memref<64xf32, #tpu.memory_space<hbm>>
    %dma_wait3A_547 = arith.constant 0 : i32
    %dma_wait3A_548 = tpu.memref_slice %arg6[%dma_wait3A_540, %dma_wait3A_547] : memref<32x64xf32, #tpu.memory_space<vmem>> -> memref<1x64xf32, #tpu.memory_space<vmem>>
    %dma_wait3A_549 = tpu.memref_squeeze %dma_wait3A_548 : memref<1x64xf32, #tpu.memory_space<vmem>> -> memref<64xf32, #tpu.memory_space<vmem>>
    %dma_wait3A_550 = arith.constant 0 : i32
    %dma_wait3A_551 = tpu.memref_slice %arg2[%squeeze3A_65, %dma_wait3A_550] : memref<100000x64xf32, #tpu.memory_space<hbm>> -> memref<1x64xf32, #tpu.memory_space<hbm>>
    %dma_wait3A_552 = tpu.memref_squeeze %dma_wait3A_551 : memref<1x64xf32, #tpu.memory_space<hbm>> -> memref<64xf32, #tpu.memory_space<hbm>>
    tpu.wait_dma2 semaphore(%arg7 : memref<!tpu.dma_semaphore, #tpu.memory_space<semaphore_mem>>) src(%dma_wait3A_552 : memref<64xf32, #tpu.memory_space<hbm>>) dst(%dma_wait3A_549 : memref<64xf32, #tpu.memory_space<vmem>>)
    %dma_wait3A_553 = arith.constant 5 : i32
    %dma_wait3A_554 = arith.constant 0 : i32
    %dma_wait3A_555 = tpu.memref_slice %arg6[%dma_wait3A_553, %dma_wait3A_554] : memref<32x64xf32, #tpu.memory_space<vmem>> -> memref<1x64xf32, #tpu.memory_space<vmem>>
    %dma_wait3A_556 = tpu.memref_squeeze %dma_wait3A_555 : memref<1x64xf32, #tpu.memory_space<vmem>> -> memref<64xf32, #tpu.memory_space<vmem>>
    %dma_wait3A_557 = arith.constant 0 : i32
    %dma_wait3A_558 = tpu.memref_slice %arg2[%squeeze3A_80, %dma_wait3A_557] : memref<100000x64xf32, #tpu.memory_space<hbm>> -> memref<1x64xf32, #tpu.memory_space<hbm>>
    %dma_wait3A_559 = tpu.memref_squeeze %dma_wait3A_558 : memref<1x64xf32, #tpu.memory_space<hbm>> -> memref<64xf32, #tpu.memory_space<hbm>>
    %dma_wait3A_560 = arith.constant 0 : i32
    %dma_wait3A_561 = tpu.memref_slice %arg6[%dma_wait3A_553, %dma_wait3A_560] : memref<32x64xf32, #tpu.memory_space<vmem>> -> memref<1x64xf32, #tpu.memory_space<vmem>>
    %dma_wait3A_562 = tpu.memref_squeeze %dma_wait3A_561 : memref<1x64xf32, #tpu.memory_space<vmem>> -> memref<64xf32, #tpu.memory_space<vmem>>
    %dma_wait3A_563 = arith.constant 0 : i32
    %dma_wait3A_564 = tpu.memref_slice %arg2[%squeeze3A_80, %dma_wait3A_563] : memref<100000x64xf32, #tpu.memory_space<hbm>> -> memref<1x64xf32, #tpu.memory_space<hbm>>
    %dma_wait3A_565 = tpu.memref_squeeze %dma_wait3A_564 : memref<1x64xf32, #tpu.memory_space<hbm>> -> memref<64xf32, #tpu.memory_space<hbm>>
    tpu.wait_dma2 semaphore(%arg7 : memref<!tpu.dma_semaphore, #tpu.memory_space<semaphore_mem>>) src(%dma_wait3A_565 : memref<64xf32, #tpu.memory_space<hbm>>) dst(%dma_wait3A_562 : memref<64xf32, #tpu.memory_space<vmem>>)
    %dma_wait3A_566 = arith.constant 6 : i32
    %dma_wait3A_567 = arith.constant 0 : i32
    %dma_wait3A_568 = tpu.memref_slice %arg6[%dma_wait3A_566, %dma_wait3A_567] : memref<32x64xf32, #tpu.memory_space<vmem>> -> memref<1x64xf32, #tpu.memory_space<vmem>>
    %dma_wait3A_569 = tpu.memref_squeeze %dma_wait3A_568 : memref<1x64xf32, #tpu.memory_space<vmem>> -> memref<64xf32, #tpu.memory_space<vmem>>
    %dma_wait3A_570 = arith.constant 0 : i32
    %dma_wait3A_571 = tpu.memref_slice %arg2[%squeeze3A_95, %dma_wait3A_570] : memref<100000x64xf32, #tpu.memory_space<hbm>> -> memref<1x64xf32, #tpu.memory_space<hbm>>
    %dma_wait3A_572 = tpu.memref_squeeze %dma_wait3A_571 : memref<1x64xf32, #tpu.memory_space<hbm>> -> memref<64xf32, #tpu.memory_space<hbm>>
    %dma_wait3A_573 = arith.constant 0 : i32
    %dma_wait3A_574 = tpu.memref_slice %arg6[%dma_wait3A_566, %dma_wait3A_573] : memref<32x64xf32, #tpu.memory_space<vmem>> -> memref<1x64xf32, #tpu.memory_space<vmem>>
    %dma_wait3A_575 = tpu.memref_squeeze %dma_wait3A_574 : memref<1x64xf32, #tpu.memory_space<vmem>> -> memref<64xf32, #tpu.memory_space<vmem>>
    %dma_wait3A_576 = arith.constant 0 : i32
    %dma_wait3A_577 = tpu.memref_slice %arg2[%squeeze3A_95, %dma_wait3A_576] : memref<100000x64xf32, #tpu.memory_space<hbm>> -> memref<1x64xf32, #tpu.memory_space<hbm>>
    %dma_wait3A_578 = tpu.memref_squeeze %dma_wait3A_577 : memref<1x64xf32, #tpu.memory_space<hbm>> -> memref<64xf32, #tpu.memory_space<hbm>>
    tpu.wait_dma2 semaphore(%arg7 : memref<!tpu.dma_semaphore, #tpu.memory_space<semaphore_mem>>) src(%dma_wait3A_578 : memref<64xf32, #tpu.memory_space<hbm>>) dst(%dma_wait3A_575 : memref<64xf32, #tpu.memory_space<vmem>>)
    %dma_wait3A_579 = arith.constant 7 : i32
    %dma_wait3A_580 = arith.constant 0 : i32
    %dma_wait3A_581 = tpu.memref_slice %arg6[%dma_wait3A_579, %dma_wait3A_580] : memref<32x64xf32, #tpu.memory_space<vmem>> -> memref<1x64xf32, #tpu.memory_space<vmem>>
    %dma_wait3A_582 = tpu.memref_squeeze %dma_wait3A_581 : memref<1x64xf32, #tpu.memory_space<vmem>> -> memref<64xf32, #tpu.memory_space<vmem>>
    %dma_wait3A_583 = arith.constant 0 : i32
    %dma_wait3A_584 = tpu.memref_slice %arg2[%squeeze3A_110, %dma_wait3A_583] : memref<100000x64xf32, #tpu.memory_space<hbm>> -> memref<1x64xf32, #tpu.memory_space<hbm>>
    %dma_wait3A_585 = tpu.memref_squeeze %dma_wait3A_584 : memref<1x64xf32, #tpu.memory_space<hbm>> -> memref<64xf32, #tpu.memory_space<hbm>>
    %dma_wait3A_586 = arith.constant 0 : i32
    %dma_wait3A_587 = tpu.memref_slice %arg6[%dma_wait3A_579, %dma_wait3A_586] : memref<32x64xf32, #tpu.memory_space<vmem>> -> memref<1x64xf32, #tpu.memory_space<vmem>>
    %dma_wait3A_588 = tpu.memref_squeeze %dma_wait3A_587 : memref<1x64xf32, #tpu.memory_space<vmem>> -> memref<64xf32, #tpu.memory_space<vmem>>
    %dma_wait3A_589 = arith.constant 0 : i32
    %dma_wait3A_590 = tpu.memref_slice %arg2[%squeeze3A_110, %dma_wait3A_589] : memref<100000x64xf32, #tpu.memory_space<hbm>> -> memref<1x64xf32, #tpu.memory_space<hbm>>
    %dma_wait3A_591 = tpu.memref_squeeze %dma_wait3A_590 : memref<1x64xf32, #tpu.memory_space<hbm>> -> memref<64xf32, #tpu.memory_space<hbm>>
    tpu.wait_dma2 semaphore(%arg7 : memref<!tpu.dma_semaphore, #tpu.memory_space<semaphore_mem>>) src(%dma_wait3A_591 : memref<64xf32, #tpu.memory_space<hbm>>) dst(%dma_wait3A_588 : memref<64xf32, #tpu.memory_space<vmem>>)
    %dma_wait3A_592 = arith.constant 8 : i32
    %dma_wait3A_593 = arith.constant 0 : i32
    %dma_wait3A_594 = tpu.memref_slice %arg6[%dma_wait3A_592, %dma_wait3A_593] : memref<32x64xf32, #tpu.memory_space<vmem>> -> memref<1x64xf32, #tpu.memory_space<vmem>>
    %dma_wait3A_595 = tpu.memref_squeeze %dma_wait3A_594 : memref<1x64xf32, #tpu.memory_space<vmem>> -> memref<64xf32, #tpu.memory_space<vmem>>
    %dma_wait3A_596 = arith.constant 0 : i32
    %dma_wait3A_597 = tpu.memref_slice %arg2[%squeeze3A_125, %dma_wait3A_596] : memref<100000x64xf32, #tpu.memory_space<hbm>> -> memref<1x64xf32, #tpu.memory_space<hbm>>
    %dma_wait3A_598 = tpu.memref_squeeze %dma_wait3A_597 : memref<1x64xf32, #tpu.memory_space<hbm>> -> memref<64xf32, #tpu.memory_space<hbm>>
    %dma_wait3A_599 = arith.constant 0 : i32
    %dma_wait3A_600 = tpu.memref_slice %arg6[%dma_wait3A_592, %dma_wait3A_599] : memref<32x64xf32, #tpu.memory_space<vmem>> -> memref<1x64xf32, #tpu.memory_space<vmem>>
    %dma_wait3A_601 = tpu.memref_squeeze %dma_wait3A_600 : memref<1x64xf32, #tpu.memory_space<vmem>> -> memref<64xf32, #tpu.memory_space<vmem>>
    %dma_wait3A_602 = arith.constant 0 : i32
    %dma_wait3A_603 = tpu.memref_slice %arg2[%squeeze3A_125, %dma_wait3A_602] : memref<100000x64xf32, #tpu.memory_space<hbm>> -> memref<1x64xf32, #tpu.memory_space<hbm>>
    %dma_wait3A_604 = tpu.memref_squeeze %dma_wait3A_603 : memref<1x64xf32, #tpu.memory_space<hbm>> -> memref<64xf32, #tpu.memory_space<hbm>>
    tpu.wait_dma2 semaphore(%arg7 : memref<!tpu.dma_semaphore, #tpu.memory_space<semaphore_mem>>) src(%dma_wait3A_604 : memref<64xf32, #tpu.memory_space<hbm>>) dst(%dma_wait3A_601 : memref<64xf32, #tpu.memory_space<vmem>>)
    %dma_wait3A_605 = arith.constant 9 : i32
    %dma_wait3A_606 = arith.constant 0 : i32
    %dma_wait3A_607 = tpu.memref_slice %arg6[%dma_wait3A_605, %dma_wait3A_606] : memref<32x64xf32, #tpu.memory_space<vmem>> -> memref<1x64xf32, #tpu.memory_space<vmem>>
    %dma_wait3A_608 = tpu.memref_squeeze %dma_wait3A_607 : memref<1x64xf32, #tpu.memory_space<vmem>> -> memref<64xf32, #tpu.memory_space<vmem>>
    %dma_wait3A_609 = arith.constant 0 : i32
    %dma_wait3A_610 = tpu.memref_slice %arg2[%squeeze3A_140, %dma_wait3A_609] : memref<100000x64xf32, #tpu.memory_space<hbm>> -> memref<1x64xf32, #tpu.memory_space<hbm>>
    %dma_wait3A_611 = tpu.memref_squeeze %dma_wait3A_610 : memref<1x64xf32, #tpu.memory_space<hbm>> -> memref<64xf32, #tpu.memory_space<hbm>>
    %dma_wait3A_612 = arith.constant 0 : i32
    %dma_wait3A_613 = tpu.memref_slice %arg6[%dma_wait3A_605, %dma_wait3A_612] : memref<32x64xf32, #tpu.memory_space<vmem>> -> memref<1x64xf32, #tpu.memory_space<vmem>>
    %dma_wait3A_614 = tpu.memref_squeeze %dma_wait3A_613 : memref<1x64xf32, #tpu.memory_space<vmem>> -> memref<64xf32, #tpu.memory_space<vmem>>
    %dma_wait3A_615 = arith.constant 0 : i32
    %dma_wait3A_616 = tpu.memref_slice %arg2[%squeeze3A_140, %dma_wait3A_615] : memref<100000x64xf32, #tpu.memory_space<hbm>> -> memref<1x64xf32, #tpu.memory_space<hbm>>
    %dma_wait3A_617 = tpu.memref_squeeze %dma_wait3A_616 : memref<1x64xf32, #tpu.memory_space<hbm>> -> memref<64xf32, #tpu.memory_space<hbm>>
    tpu.wait_dma2 semaphore(%arg7 : memref<!tpu.dma_semaphore, #tpu.memory_space<semaphore_mem>>) src(%dma_wait3A_617 : memref<64xf32, #tpu.memory_space<hbm>>) dst(%dma_wait3A_614 : memref<64xf32, #tpu.memory_space<vmem>>)
    %dma_wait3A_618 = arith.constant 10 : i32
    %dma_wait3A_619 = arith.constant 0 : i32
    %dma_wait3A_620 = tpu.memref_slice %arg6[%dma_wait3A_618, %dma_wait3A_619] : memref<32x64xf32, #tpu.memory_space<vmem>> -> memref<1x64xf32, #tpu.memory_space<vmem>>
    %dma_wait3A_621 = tpu.memref_squeeze %dma_wait3A_620 : memref<1x64xf32, #tpu.memory_space<vmem>> -> memref<64xf32, #tpu.memory_space<vmem>>
    %dma_wait3A_622 = arith.constant 0 : i32
    %dma_wait3A_623 = tpu.memref_slice %arg2[%squeeze3A_155, %dma_wait3A_622] : memref<100000x64xf32, #tpu.memory_space<hbm>> -> memref<1x64xf32, #tpu.memory_space<hbm>>
    %dma_wait3A_624 = tpu.memref_squeeze %dma_wait3A_623 : memref<1x64xf32, #tpu.memory_space<hbm>> -> memref<64xf32, #tpu.memory_space<hbm>>
    %dma_wait3A_625 = arith.constant 0 : i32
    %dma_wait3A_626 = tpu.memref_slice %arg6[%dma_wait3A_618, %dma_wait3A_625] : memref<32x64xf32, #tpu.memory_space<vmem>> -> memref<1x64xf32, #tpu.memory_space<vmem>>
    %dma_wait3A_627 = tpu.memref_squeeze %dma_wait3A_626 : memref<1x64xf32, #tpu.memory_space<vmem>> -> memref<64xf32, #tpu.memory_space<vmem>>
    %dma_wait3A_628 = arith.constant 0 : i32
    %dma_wait3A_629 = tpu.memref_slice %arg2[%squeeze3A_155, %dma_wait3A_628] : memref<100000x64xf32, #tpu.memory_space<hbm>> -> memref<1x64xf32, #tpu.memory_space<hbm>>
    %dma_wait3A_630 = tpu.memref_squeeze %dma_wait3A_629 : memref<1x64xf32, #tpu.memory_space<hbm>> -> memref<64xf32, #tpu.memory_space<hbm>>
    tpu.wait_dma2 semaphore(%arg7 : memref<!tpu.dma_semaphore, #tpu.memory_space<semaphore_mem>>) src(%dma_wait3A_630 : memref<64xf32, #tpu.memory_space<hbm>>) dst(%dma_wait3A_627 : memref<64xf32, #tpu.memory_space<vmem>>)
    %dma_wait3A_631 = arith.constant 11 : i32
    %dma_wait3A_632 = arith.constant 0 : i32
    %dma_wait3A_633 = tpu.memref_slice %arg6[%dma_wait3A_631, %dma_wait3A_632] : memref<32x64xf32, #tpu.memory_space<vmem>> -> memref<1x64xf32, #tpu.memory_space<vmem>>
    %dma_wait3A_634 = tpu.memref_squeeze %dma_wait3A_633 : memref<1x64xf32, #tpu.memory_space<vmem>> -> memref<64xf32, #tpu.memory_space<vmem>>
    %dma_wait3A_635 = arith.constant 0 : i32
    %dma_wait3A_636 = tpu.memref_slice %arg2[%squeeze3A_170, %dma_wait3A_635] : memref<100000x64xf32, #tpu.memory_space<hbm>> -> memref<1x64xf32, #tpu.memory_space<hbm>>
    %dma_wait3A_637 = tpu.memref_squeeze %dma_wait3A_636 : memref<1x64xf32, #tpu.memory_space<hbm>> -> memref<64xf32, #tpu.memory_space<hbm>>
    %dma_wait3A_638 = arith.constant 0 : i32
    %dma_wait3A_639 = tpu.memref_slice %arg6[%dma_wait3A_631, %dma_wait3A_638] : memref<32x64xf32, #tpu.memory_space<vmem>> -> memref<1x64xf32, #tpu.memory_space<vmem>>
    %dma_wait3A_640 = tpu.memref_squeeze %dma_wait3A_639 : memref<1x64xf32, #tpu.memory_space<vmem>> -> memref<64xf32, #tpu.memory_space<vmem>>
    %dma_wait3A_641 = arith.constant 0 : i32
    %dma_wait3A_642 = tpu.memref_slice %arg2[%squeeze3A_170, %dma_wait3A_641] : memref<100000x64xf32, #tpu.memory_space<hbm>> -> memref<1x64xf32, #tpu.memory_space<hbm>>
    %dma_wait3A_643 = tpu.memref_squeeze %dma_wait3A_642 : memref<1x64xf32, #tpu.memory_space<hbm>> -> memref<64xf32, #tpu.memory_space<hbm>>
    tpu.wait_dma2 semaphore(%arg7 : memref<!tpu.dma_semaphore, #tpu.memory_space<semaphore_mem>>) src(%dma_wait3A_643 : memref<64xf32, #tpu.memory_space<hbm>>) dst(%dma_wait3A_640 : memref<64xf32, #tpu.memory_space<vmem>>)
    %dma_wait3A_644 = arith.constant 12 : i32
    %dma_wait3A_645 = arith.constant 0 : i32
    %dma_wait3A_646 = tpu.memref_slice %arg6[%dma_wait3A_644, %dma_wait3A_645] : memref<32x64xf32, #tpu.memory_space<vmem>> -> memref<1x64xf32, #tpu.memory_space<vmem>>
    %dma_wait3A_647 = tpu.memref_squeeze %dma_wait3A_646 : memref<1x64xf32, #tpu.memory_space<vmem>> -> memref<64xf32, #tpu.memory_space<vmem>>
    %dma_wait3A_648 = arith.constant 0 : i32
    %dma_wait3A_649 = tpu.memref_slice %arg2[%squeeze3A_185, %dma_wait3A_648] : memref<100000x64xf32, #tpu.memory_space<hbm>> -> memref<1x64xf32, #tpu.memory_space<hbm>>
    %dma_wait3A_650 = tpu.memref_squeeze %dma_wait3A_649 : memref<1x64xf32, #tpu.memory_space<hbm>> -> memref<64xf32, #tpu.memory_space<hbm>>
    %dma_wait3A_651 = arith.constant 0 : i32
    %dma_wait3A_652 = tpu.memref_slice %arg6[%dma_wait3A_644, %dma_wait3A_651] : memref<32x64xf32, #tpu.memory_space<vmem>> -> memref<1x64xf32, #tpu.memory_space<vmem>>
    %dma_wait3A_653 = tpu.memref_squeeze %dma_wait3A_652 : memref<1x64xf32, #tpu.memory_space<vmem>> -> memref<64xf32, #tpu.memory_space<vmem>>
    %dma_wait3A_654 = arith.constant 0 : i32
    %dma_wait3A_655 = tpu.memref_slice %arg2[%squeeze3A_185, %dma_wait3A_654] : memref<100000x64xf32, #tpu.memory_space<hbm>> -> memref<1x64xf32, #tpu.memory_space<hbm>>
    %dma_wait3A_656 = tpu.memref_squeeze %dma_wait3A_655 : memref<1x64xf32, #tpu.memory_space<hbm>> -> memref<64xf32, #tpu.memory_space<hbm>>
    tpu.wait_dma2 semaphore(%arg7 : memref<!tpu.dma_semaphore, #tpu.memory_space<semaphore_mem>>) src(%dma_wait3A_656 : memref<64xf32, #tpu.memory_space<hbm>>) dst(%dma_wait3A_653 : memref<64xf32, #tpu.memory_space<vmem>>)
    %dma_wait3A_657 = arith.constant 13 : i32
    %dma_wait3A_658 = arith.constant 0 : i32
    %dma_wait3A_659 = tpu.memref_slice %arg6[%dma_wait3A_657, %dma_wait3A_658] : memref<32x64xf32, #tpu.memory_space<vmem>> -> memref<1x64xf32, #tpu.memory_space<vmem>>
    %dma_wait3A_660 = tpu.memref_squeeze %dma_wait3A_659 : memref<1x64xf32, #tpu.memory_space<vmem>> -> memref<64xf32, #tpu.memory_space<vmem>>
    %dma_wait3A_661 = arith.constant 0 : i32
    %dma_wait3A_662 = tpu.memref_slice %arg2[%squeeze3A_200, %dma_wait3A_661] : memref<100000x64xf32, #tpu.memory_space<hbm>> -> memref<1x64xf32, #tpu.memory_space<hbm>>
    %dma_wait3A_663 = tpu.memref_squeeze %dma_wait3A_662 : memref<1x64xf32, #tpu.memory_space<hbm>> -> memref<64xf32, #tpu.memory_space<hbm>>
    %dma_wait3A_664 = arith.constant 0 : i32
    %dma_wait3A_665 = tpu.memref_slice %arg6[%dma_wait3A_657, %dma_wait3A_664] : memref<32x64xf32, #tpu.memory_space<vmem>> -> memref<1x64xf32, #tpu.memory_space<vmem>>
    %dma_wait3A_666 = tpu.memref_squeeze %dma_wait3A_665 : memref<1x64xf32, #tpu.memory_space<vmem>> -> memref<64xf32, #tpu.memory_space<vmem>>
    %dma_wait3A_667 = arith.constant 0 : i32
    %dma_wait3A_668 = tpu.memref_slice %arg2[%squeeze3A_200, %dma_wait3A_667] : memref<100000x64xf32, #tpu.memory_space<hbm>> -> memref<1x64xf32, #tpu.memory_space<hbm>>
    %dma_wait3A_669 = tpu.memref_squeeze %dma_wait3A_668 : memref<1x64xf32, #tpu.memory_space<hbm>> -> memref<64xf32, #tpu.memory_space<hbm>>
    tpu.wait_dma2 semaphore(%arg7 : memref<!tpu.dma_semaphore, #tpu.memory_space<semaphore_mem>>) src(%dma_wait3A_669 : memref<64xf32, #tpu.memory_space<hbm>>) dst(%dma_wait3A_666 : memref<64xf32, #tpu.memory_space<vmem>>)
    %dma_wait3A_670 = arith.constant 14 : i32
    %dma_wait3A_671 = arith.constant 0 : i32
    %dma_wait3A_672 = tpu.memref_slice %arg6[%dma_wait3A_670, %dma_wait3A_671] : memref<32x64xf32, #tpu.memory_space<vmem>> -> memref<1x64xf32, #tpu.memory_space<vmem>>
    %dma_wait3A_673 = tpu.memref_squeeze %dma_wait3A_672 : memref<1x64xf32, #tpu.memory_space<vmem>> -> memref<64xf32, #tpu.memory_space<vmem>>
    %dma_wait3A_674 = arith.constant 0 : i32
    %dma_wait3A_675 = tpu.memref_slice %arg2[%squeeze3A_215, %dma_wait3A_674] : memref<100000x64xf32, #tpu.memory_space<hbm>> -> memref<1x64xf32, #tpu.memory_space<hbm>>
    %dma_wait3A_676 = tpu.memref_squeeze %dma_wait3A_675 : memref<1x64xf32, #tpu.memory_space<hbm>> -> memref<64xf32, #tpu.memory_space<hbm>>
    %dma_wait3A_677 = arith.constant 0 : i32
    %dma_wait3A_678 = tpu.memref_slice %arg6[%dma_wait3A_670, %dma_wait3A_677] : memref<32x64xf32, #tpu.memory_space<vmem>> -> memref<1x64xf32, #tpu.memory_space<vmem>>
    %dma_wait3A_679 = tpu.memref_squeeze %dma_wait3A_678 : memref<1x64xf32, #tpu.memory_space<vmem>> -> memref<64xf32, #tpu.memory_space<vmem>>
    %dma_wait3A_680 = arith.constant 0 : i32
    %dma_wait3A_681 = tpu.memref_slice %arg2[%squeeze3A_215, %dma_wait3A_680] : memref<100000x64xf32, #tpu.memory_space<hbm>> -> memref<1x64xf32, #tpu.memory_space<hbm>>
    %dma_wait3A_682 = tpu.memref_squeeze %dma_wait3A_681 : memref<1x64xf32, #tpu.memory_space<hbm>> -> memref<64xf32, #tpu.memory_space<hbm>>
    tpu.wait_dma2 semaphore(%arg7 : memref<!tpu.dma_semaphore, #tpu.memory_space<semaphore_mem>>) src(%dma_wait3A_682 : memref<64xf32, #tpu.memory_space<hbm>>) dst(%dma_wait3A_679 : memref<64xf32, #tpu.memory_space<vmem>>)
    %dma_wait3A_683 = arith.constant 15 : i32
    %dma_wait3A_684 = arith.constant 0 : i32
    %dma_wait3A_685 = tpu.memref_slice %arg6[%dma_wait3A_683, %dma_wait3A_684] : memref<32x64xf32, #tpu.memory_space<vmem>> -> memref<1x64xf32, #tpu.memory_space<vmem>>
    %dma_wait3A_686 = tpu.memref_squeeze %dma_wait3A_685 : memref<1x64xf32, #tpu.memory_space<vmem>> -> memref<64xf32, #tpu.memory_space<vmem>>
    %dma_wait3A_687 = arith.constant 0 : i32
    %dma_wait3A_688 = tpu.memref_slice %arg2[%squeeze3A_230, %dma_wait3A_687] : memref<100000x64xf32, #tpu.memory_space<hbm>> -> memref<1x64xf32, #tpu.memory_space<hbm>>
    %dma_wait3A_689 = tpu.memref_squeeze %dma_wait3A_688 : memref<1x64xf32, #tpu.memory_space<hbm>> -> memref<64xf32, #tpu.memory_space<hbm>>
    %dma_wait3A_690 = arith.constant 0 : i32
    %dma_wait3A_691 = tpu.memref_slice %arg6[%dma_wait3A_683, %dma_wait3A_690] : memref<32x64xf32, #tpu.memory_space<vmem>> -> memref<1x64xf32, #tpu.memory_space<vmem>>
    %dma_wait3A_692 = tpu.memref_squeeze %dma_wait3A_691 : memref<1x64xf32, #tpu.memory_space<vmem>> -> memref<64xf32, #tpu.memory_space<vmem>>
    %dma_wait3A_693 = arith.constant 0 : i32
    %dma_wait3A_694 = tpu.memref_slice %arg2[%squeeze3A_230, %dma_wait3A_693] : memref<100000x64xf32, #tpu.memory_space<hbm>> -> memref<1x64xf32, #tpu.memory_space<hbm>>
    %dma_wait3A_695 = tpu.memref_squeeze %dma_wait3A_694 : memref<1x64xf32, #tpu.memory_space<hbm>> -> memref<64xf32, #tpu.memory_space<hbm>>
    tpu.wait_dma2 semaphore(%arg7 : memref<!tpu.dma_semaphore, #tpu.memory_space<semaphore_mem>>) src(%dma_wait3A_695 : memref<64xf32, #tpu.memory_space<hbm>>) dst(%dma_wait3A_692 : memref<64xf32, #tpu.memory_space<vmem>>)
    %dma_wait3A_696 = arith.constant 16 : i32
    %dma_wait3A_697 = arith.constant 0 : i32
    %dma_wait3A_698 = tpu.memref_slice %arg6[%dma_wait3A_696, %dma_wait3A_697] : memref<32x64xf32, #tpu.memory_space<vmem>> -> memref<1x64xf32, #tpu.memory_space<vmem>>
    %dma_wait3A_699 = tpu.memref_squeeze %dma_wait3A_698 : memref<1x64xf32, #tpu.memory_space<vmem>> -> memref<64xf32, #tpu.memory_space<vmem>>
    %dma_wait3A_700 = arith.constant 0 : i32
    %dma_wait3A_701 = tpu.memref_slice %arg2[%squeeze3A_250, %dma_wait3A_700] : memref<100000x64xf32, #tpu.memory_space<hbm>> -> memref<1x64xf32, #tpu.memory_space<hbm>>
    %dma_wait3A_702 = tpu.memref_squeeze %dma_wait3A_701 : memref<1x64xf32, #tpu.memory_space<hbm>> -> memref<64xf32, #tpu.memory_space<hbm>>
    %dma_wait3A_703 = arith.constant 0 : i32
    %dma_wait3A_704 = tpu.memref_slice %arg6[%dma_wait3A_696, %dma_wait3A_703] : memref<32x64xf32, #tpu.memory_space<vmem>> -> memref<1x64xf32, #tpu.memory_space<vmem>>
    %dma_wait3A_705 = tpu.memref_squeeze %dma_wait3A_704 : memref<1x64xf32, #tpu.memory_space<vmem>> -> memref<64xf32, #tpu.memory_space<vmem>>
    %dma_wait3A_706 = arith.constant 0 : i32
    %dma_wait3A_707 = tpu.memref_slice %arg2[%squeeze3A_250, %dma_wait3A_706] : memref<100000x64xf32, #tpu.memory_space<hbm>> -> memref<1x64xf32, #tpu.memory_space<hbm>>
    %dma_wait3A_708 = tpu.memref_squeeze %dma_wait3A_707 : memref<1x64xf32, #tpu.memory_space<hbm>> -> memref<64xf32, #tpu.memory_space<hbm>>
    tpu.wait_dma2 semaphore(%arg7 : memref<!tpu.dma_semaphore, #tpu.memory_space<semaphore_mem>>) src(%dma_wait3A_708 : memref<64xf32, #tpu.memory_space<hbm>>) dst(%dma_wait3A_705 : memref<64xf32, #tpu.memory_space<vmem>>)
    %dma_wait3A_709 = arith.constant 17 : i32
    %dma_wait3A_710 = arith.constant 0 : i32
    %dma_wait3A_711 = tpu.memref_slice %arg6[%dma_wait3A_709, %dma_wait3A_710] : memref<32x64xf32, #tpu.memory_space<vmem>> -> memref<1x64xf32, #tpu.memory_space<vmem>>
    %dma_wait3A_712 = tpu.memref_squeeze %dma_wait3A_711 : memref<1x64xf32, #tpu.memory_space<vmem>> -> memref<64xf32, #tpu.memory_space<vmem>>
    %dma_wait3A_713 = arith.constant 0 : i32
    %dma_wait3A_714 = tpu.memref_slice %arg2[%squeeze3A_265, %dma_wait3A_713] : memref<100000x64xf32, #tpu.memory_space<hbm>> -> memref<1x64xf32, #tpu.memory_space<hbm>>
    %dma_wait3A_715 = tpu.memref_squeeze %dma_wait3A_714 : memref<1x64xf32, #tpu.memory_space<hbm>> -> memref<64xf32, #tpu.memory_space<hbm>>
    %dma_wait3A_716 = arith.constant 0 : i32
    %dma_wait3A_717 = tpu.memref_slice %arg6[%dma_wait3A_709, %dma_wait3A_716] : memref<32x64xf32, #tpu.memory_space<vmem>> -> memref<1x64xf32, #tpu.memory_space<vmem>>
    %dma_wait3A_718 = tpu.memref_squeeze %dma_wait3A_717 : memref<1x64xf32, #tpu.memory_space<vmem>> -> memref<64xf32, #tpu.memory_space<vmem>>
    %dma_wait3A_719 = arith.constant 0 : i32
    %dma_wait3A_720 = tpu.memref_slice %arg2[%squeeze3A_265, %dma_wait3A_719] : memref<100000x64xf32, #tpu.memory_space<hbm>> -> memref<1x64xf32, #tpu.memory_space<hbm>>
    %dma_wait3A_721 = tpu.memref_squeeze %dma_wait3A_720 : memref<1x64xf32, #tpu.memory_space<hbm>> -> memref<64xf32, #tpu.memory_space<hbm>>
    tpu.wait_dma2 semaphore(%arg7 : memref<!tpu.dma_semaphore, #tpu.memory_space<semaphore_mem>>) src(%dma_wait3A_721 : memref<64xf32, #tpu.memory_space<hbm>>) dst(%dma_wait3A_718 : memref<64xf32, #tpu.memory_space<vmem>>)
    %dma_wait3A_722 = arith.constant 18 : i32
    %dma_wait3A_723 = arith.constant 0 : i32
    %dma_wait3A_724 = tpu.memref_slice %arg6[%dma_wait3A_722, %dma_wait3A_723] : memref<32x64xf32, #tpu.memory_space<vmem>> -> memref<1x64xf32, #tpu.memory_space<vmem>>
    %dma_wait3A_725 = tpu.memref_squeeze %dma_wait3A_724 : memref<1x64xf32, #tpu.memory_space<vmem>> -> memref<64xf32, #tpu.memory_space<vmem>>
    %dma_wait3A_726 = arith.constant 0 : i32
    %dma_wait3A_727 = tpu.memref_slice %arg2[%squeeze3A_280, %dma_wait3A_726] : memref<100000x64xf32, #tpu.memory_space<hbm>> -> memref<1x64xf32, #tpu.memory_space<hbm>>
    %dma_wait3A_728 = tpu.memref_squeeze %dma_wait3A_727 : memref<1x64xf32, #tpu.memory_space<hbm>> -> memref<64xf32, #tpu.memory_space<hbm>>
    %dma_wait3A_729 = arith.constant 0 : i32
    %dma_wait3A_730 = tpu.memref_slice %arg6[%dma_wait3A_722, %dma_wait3A_729] : memref<32x64xf32, #tpu.memory_space<vmem>> -> memref<1x64xf32, #tpu.memory_space<vmem>>
    %dma_wait3A_731 = tpu.memref_squeeze %dma_wait3A_730 : memref<1x64xf32, #tpu.memory_space<vmem>> -> memref<64xf32, #tpu.memory_space<vmem>>
    %dma_wait3A_732 = arith.constant 0 : i32
    %dma_wait3A_733 = tpu.memref_slice %arg2[%squeeze3A_280, %dma_wait3A_732] : memref<100000x64xf32, #tpu.memory_space<hbm>> -> memref<1x64xf32, #tpu.memory_space<hbm>>
    %dma_wait3A_734 = tpu.memref_squeeze %dma_wait3A_733 : memref<1x64xf32, #tpu.memory_space<hbm>> -> memref<64xf32, #tpu.memory_space<hbm>>
    tpu.wait_dma2 semaphore(%arg7 : memref<!tpu.dma_semaphore, #tpu.memory_space<semaphore_mem>>) src(%dma_wait3A_734 : memref<64xf32, #tpu.memory_space<hbm>>) dst(%dma_wait3A_731 : memref<64xf32, #tpu.memory_space<vmem>>)
    %dma_wait3A_735 = arith.constant 19 : i32
    %dma_wait3A_736 = arith.constant 0 : i32
    %dma_wait3A_737 = tpu.memref_slice %arg6[%dma_wait3A_735, %dma_wait3A_736] : memref<32x64xf32, #tpu.memory_space<vmem>> -> memref<1x64xf32, #tpu.memory_space<vmem>>
    %dma_wait3A_738 = tpu.memref_squeeze %dma_wait3A_737 : memref<1x64xf32, #tpu.memory_space<vmem>> -> memref<64xf32, #tpu.memory_space<vmem>>
    %dma_wait3A_739 = arith.constant 0 : i32
    %dma_wait3A_740 = tpu.memref_slice %arg2[%squeeze3A_295, %dma_wait3A_739] : memref<100000x64xf32, #tpu.memory_space<hbm>> -> memref<1x64xf32, #tpu.memory_space<hbm>>
    %dma_wait3A_741 = tpu.memref_squeeze %dma_wait3A_740 : memref<1x64xf32, #tpu.memory_space<hbm>> -> memref<64xf32, #tpu.memory_space<hbm>>
    %dma_wait3A_742 = arith.constant 0 : i32
    %dma_wait3A_743 = tpu.memref_slice %arg6[%dma_wait3A_735, %dma_wait3A_742] : memref<32x64xf32, #tpu.memory_space<vmem>> -> memref<1x64xf32, #tpu.memory_space<vmem>>
    %dma_wait3A_744 = tpu.memref_squeeze %dma_wait3A_743 : memref<1x64xf32, #tpu.memory_space<vmem>> -> memref<64xf32, #tpu.memory_space<vmem>>
    %dma_wait3A_745 = arith.constant 0 : i32
    %dma_wait3A_746 = tpu.memref_slice %arg2[%squeeze3A_295, %dma_wait3A_745] : memref<100000x64xf32, #tpu.memory_space<hbm>> -> memref<1x64xf32, #tpu.memory_space<hbm>>
    %dma_wait3A_747 = tpu.memref_squeeze %dma_wait3A_746 : memref<1x64xf32, #tpu.memory_space<hbm>> -> memref<64xf32, #tpu.memory_space<hbm>>
    tpu.wait_dma2 semaphore(%arg7 : memref<!tpu.dma_semaphore, #tpu.memory_space<semaphore_mem>>) src(%dma_wait3A_747 : memref<64xf32, #tpu.memory_space<hbm>>) dst(%dma_wait3A_744 : memref<64xf32, #tpu.memory_space<vmem>>)
    %dma_wait3A_748 = arith.constant 20 : i32
    %dma_wait3A_749 = arith.constant 0 : i32
    %dma_wait3A_750 = tpu.memref_slice %arg6[%dma_wait3A_748, %dma_wait3A_749] : memref<32x64xf32, #tpu.memory_space<vmem>> -> memref<1x64xf32, #tpu.memory_space<vmem>>
    %dma_wait3A_751 = tpu.memref_squeeze %dma_wait3A_750 : memref<1x64xf32, #tpu.memory_space<vmem>> -> memref<64xf32, #tpu.memory_space<vmem>>
    %dma_wait3A_752 = arith.constant 0 : i32
    %dma_wait3A_753 = tpu.memref_slice %arg2[%squeeze3A_310, %dma_wait3A_752] : memref<100000x64xf32, #tpu.memory_space<hbm>> -> memref<1x64xf32, #tpu.memory_space<hbm>>
    %dma_wait3A_754 = tpu.memref_squeeze %dma_wait3A_753 : memref<1x64xf32, #tpu.memory_space<hbm>> -> memref<64xf32, #tpu.memory_space<hbm>>
    %dma_wait3A_755 = arith.constant 0 : i32
    %dma_wait3A_756 = tpu.memref_slice %arg6[%dma_wait3A_748, %dma_wait3A_755] : memref<32x64xf32, #tpu.memory_space<vmem>> -> memref<1x64xf32, #tpu.memory_space<vmem>>
    %dma_wait3A_757 = tpu.memref_squeeze %dma_wait3A_756 : memref<1x64xf32, #tpu.memory_space<vmem>> -> memref<64xf32, #tpu.memory_space<vmem>>
    %dma_wait3A_758 = arith.constant 0 : i32
    %dma_wait3A_759 = tpu.memref_slice %arg2[%squeeze3A_310, %dma_wait3A_758] : memref<100000x64xf32, #tpu.memory_space<hbm>> -> memref<1x64xf32, #tpu.memory_space<hbm>>
    %dma_wait3A_760 = tpu.memref_squeeze %dma_wait3A_759 : memref<1x64xf32, #tpu.memory_space<hbm>> -> memref<64xf32, #tpu.memory_space<hbm>>
    tpu.wait_dma2 semaphore(%arg7 : memref<!tpu.dma_semaphore, #tpu.memory_space<semaphore_mem>>) src(%dma_wait3A_760 : memref<64xf32, #tpu.memory_space<hbm>>) dst(%dma_wait3A_757 : memref<64xf32, #tpu.memory_space<vmem>>)
    %dma_wait3A_761 = arith.constant 21 : i32
    %dma_wait3A_762 = arith.constant 0 : i32
    %dma_wait3A_763 = tpu.memref_slice %arg6[%dma_wait3A_761, %dma_wait3A_762] : memref<32x64xf32, #tpu.memory_space<vmem>> -> memref<1x64xf32, #tpu.memory_space<vmem>>
    %dma_wait3A_764 = tpu.memref_squeeze %dma_wait3A_763 : memref<1x64xf32, #tpu.memory_space<vmem>> -> memref<64xf32, #tpu.memory_space<vmem>>
    %dma_wait3A_765 = arith.constant 0 : i32
    %dma_wait3A_766 = tpu.memref_slice %arg2[%squeeze3A_325, %dma_wait3A_765] : memref<100000x64xf32, #tpu.memory_space<hbm>> -> memref<1x64xf32, #tpu.memory_space<hbm>>
    %dma_wait3A_767 = tpu.memref_squeeze %dma_wait3A_766 : memref<1x64xf32, #tpu.memory_space<hbm>> -> memref<64xf32, #tpu.memory_space<hbm>>
    %dma_wait3A_768 = arith.constant 0 : i32
    %dma_wait3A_769 = tpu.memref_slice %arg6[%dma_wait3A_761, %dma_wait3A_768] : memref<32x64xf32, #tpu.memory_space<vmem>> -> memref<1x64xf32, #tpu.memory_space<vmem>>
    %dma_wait3A_770 = tpu.memref_squeeze %dma_wait3A_769 : memref<1x64xf32, #tpu.memory_space<vmem>> -> memref<64xf32, #tpu.memory_space<vmem>>
    %dma_wait3A_771 = arith.constant 0 : i32
    %dma_wait3A_772 = tpu.memref_slice %arg2[%squeeze3A_325, %dma_wait3A_771] : memref<100000x64xf32, #tpu.memory_space<hbm>> -> memref<1x64xf32, #tpu.memory_space<hbm>>
    %dma_wait3A_773 = tpu.memref_squeeze %dma_wait3A_772 : memref<1x64xf32, #tpu.memory_space<hbm>> -> memref<64xf32, #tpu.memory_space<hbm>>
    tpu.wait_dma2 semaphore(%arg7 : memref<!tpu.dma_semaphore, #tpu.memory_space<semaphore_mem>>) src(%dma_wait3A_773 : memref<64xf32, #tpu.memory_space<hbm>>) dst(%dma_wait3A_770 : memref<64xf32, #tpu.memory_space<vmem>>)
    %dma_wait3A_774 = arith.constant 22 : i32
    %dma_wait3A_775 = arith.constant 0 : i32
    %dma_wait3A_776 = tpu.memref_slice %arg6[%dma_wait3A_774, %dma_wait3A_775] : memref<32x64xf32, #tpu.memory_space<vmem>> -> memref<1x64xf32, #tpu.memory_space<vmem>>
    %dma_wait3A_777 = tpu.memref_squeeze %dma_wait3A_776 : memref<1x64xf32, #tpu.memory_space<vmem>> -> memref<64xf32, #tpu.memory_space<vmem>>
    %dma_wait3A_778 = arith.constant 0 : i32
    %dma_wait3A_779 = tpu.memref_slice %arg2[%squeeze3A_340, %dma_wait3A_778] : memref<100000x64xf32, #tpu.memory_space<hbm>> -> memref<1x64xf32, #tpu.memory_space<hbm>>
    %dma_wait3A_780 = tpu.memref_squeeze %dma_wait3A_779 : memref<1x64xf32, #tpu.memory_space<hbm>> -> memref<64xf32, #tpu.memory_space<hbm>>
    %dma_wait3A_781 = arith.constant 0 : i32
    %dma_wait3A_782 = tpu.memref_slice %arg6[%dma_wait3A_774, %dma_wait3A_781] : memref<32x64xf32, #tpu.memory_space<vmem>> -> memref<1x64xf32, #tpu.memory_space<vmem>>
    %dma_wait3A_783 = tpu.memref_squeeze %dma_wait3A_782 : memref<1x64xf32, #tpu.memory_space<vmem>> -> memref<64xf32, #tpu.memory_space<vmem>>
    %dma_wait3A_784 = arith.constant 0 : i32
    %dma_wait3A_785 = tpu.memref_slice %arg2[%squeeze3A_340, %dma_wait3A_784] : memref<100000x64xf32, #tpu.memory_space<hbm>> -> memref<1x64xf32, #tpu.memory_space<hbm>>
    %dma_wait3A_786 = tpu.memref_squeeze %dma_wait3A_785 : memref<1x64xf32, #tpu.memory_space<hbm>> -> memref<64xf32, #tpu.memory_space<hbm>>
    tpu.wait_dma2 semaphore(%arg7 : memref<!tpu.dma_semaphore, #tpu.memory_space<semaphore_mem>>) src(%dma_wait3A_786 : memref<64xf32, #tpu.memory_space<hbm>>) dst(%dma_wait3A_783 : memref<64xf32, #tpu.memory_space<vmem>>)
    %dma_wait3A_787 = arith.constant 23 : i32
    %dma_wait3A_788 = arith.constant 0 : i32
    %dma_wait3A_789 = tpu.memref_slice %arg6[%dma_wait3A_787, %dma_wait3A_788] : memref<32x64xf32, #tpu.memory_space<vmem>> -> memref<1x64xf32, #tpu.memory_space<vmem>>
    %dma_wait3A_790 = tpu.memref_squeeze %dma_wait3A_789 : memref<1x64xf32, #tpu.memory_space<vmem>> -> memref<64xf32, #tpu.memory_space<vmem>>
    %dma_wait3A_791 = arith.constant 0 : i32
    %dma_wait3A_792 = tpu.memref_slice %arg2[%squeeze3A_355, %dma_wait3A_791] : memref<100000x64xf32, #tpu.memory_space<hbm>> -> memref<1x64xf32, #tpu.memory_space<hbm>>
    %dma_wait3A_793 = tpu.memref_squeeze %dma_wait3A_792 : memref<1x64xf32, #tpu.memory_space<hbm>> -> memref<64xf32, #tpu.memory_space<hbm>>
    %dma_wait3A_794 = arith.constant 0 : i32
    %dma_wait3A_795 = tpu.memref_slice %arg6[%dma_wait3A_787, %dma_wait3A_794] : memref<32x64xf32, #tpu.memory_space<vmem>> -> memref<1x64xf32, #tpu.memory_space<vmem>>
    %dma_wait3A_796 = tpu.memref_squeeze %dma_wait3A_795 : memref<1x64xf32, #tpu.memory_space<vmem>> -> memref<64xf32, #tpu.memory_space<vmem>>
    %dma_wait3A_797 = arith.constant 0 : i32
    %dma_wait3A_798 = tpu.memref_slice %arg2[%squeeze3A_355, %dma_wait3A_797] : memref<100000x64xf32, #tpu.memory_space<hbm>> -> memref<1x64xf32, #tpu.memory_space<hbm>>
    %dma_wait3A_799 = tpu.memref_squeeze %dma_wait3A_798 : memref<1x64xf32, #tpu.memory_space<hbm>> -> memref<64xf32, #tpu.memory_space<hbm>>
    tpu.wait_dma2 semaphore(%arg7 : memref<!tpu.dma_semaphore, #tpu.memory_space<semaphore_mem>>) src(%dma_wait3A_799 : memref<64xf32, #tpu.memory_space<hbm>>) dst(%dma_wait3A_796 : memref<64xf32, #tpu.memory_space<vmem>>)
    %dma_wait3A_800 = arith.constant 24 : i32
    %dma_wait3A_801 = arith.constant 0 : i32
    %dma_wait3A_802 = tpu.memref_slice %arg6[%dma_wait3A_800, %dma_wait3A_801] : memref<32x64xf32, #tpu.memory_space<vmem>> -> memref<1x64xf32, #tpu.memory_space<vmem>>
    %dma_wait3A_803 = tpu.memref_squeeze %dma_wait3A_802 : memref<1x64xf32, #tpu.memory_space<vmem>> -> memref<64xf32, #tpu.memory_space<vmem>>
    %dma_wait3A_804 = arith.constant 0 : i32
    %dma_wait3A_805 = tpu.memref_slice %arg2[%squeeze3A_370, %dma_wait3A_804] : memref<100000x64xf32, #tpu.memory_space<hbm>> -> memref<1x64xf32, #tpu.memory_space<hbm>>
    %dma_wait3A_806 = tpu.memref_squeeze %dma_wait3A_805 : memref<1x64xf32, #tpu.memory_space<hbm>> -> memref<64xf32, #tpu.memory_space<hbm>>
    %dma_wait3A_807 = arith.constant 0 : i32
    %dma_wait3A_808 = tpu.memref_slice %arg6[%dma_wait3A_800, %dma_wait3A_807] : memref<32x64xf32, #tpu.memory_space<vmem>> -> memref<1x64xf32, #tpu.memory_space<vmem>>
    %dma_wait3A_809 = tpu.memref_squeeze %dma_wait3A_808 : memref<1x64xf32, #tpu.memory_space<vmem>> -> memref<64xf32, #tpu.memory_space<vmem>>
    %dma_wait3A_810 = arith.constant 0 : i32
    %dma_wait3A_811 = tpu.memref_slice %arg2[%squeeze3A_370, %dma_wait3A_810] : memref<100000x64xf32, #tpu.memory_space<hbm>> -> memref<1x64xf32, #tpu.memory_space<hbm>>
    %dma_wait3A_812 = tpu.memref_squeeze %dma_wait3A_811 : memref<1x64xf32, #tpu.memory_space<hbm>> -> memref<64xf32, #tpu.memory_space<hbm>>
    tpu.wait_dma2 semaphore(%arg7 : memref<!tpu.dma_semaphore, #tpu.memory_space<semaphore_mem>>) src(%dma_wait3A_812 : memref<64xf32, #tpu.memory_space<hbm>>) dst(%dma_wait3A_809 : memref<64xf32, #tpu.memory_space<vmem>>)
    %dma_wait3A_813 = arith.constant 25 : i32
    %dma_wait3A_814 = arith.constant 0 : i32
    %dma_wait3A_815 = tpu.memref_slice %arg6[%dma_wait3A_813, %dma_wait3A_814] : memref<32x64xf32, #tpu.memory_space<vmem>> -> memref<1x64xf32, #tpu.memory_space<vmem>>
    %dma_wait3A_816 = tpu.memref_squeeze %dma_wait3A_815 : memref<1x64xf32, #tpu.memory_space<vmem>> -> memref<64xf32, #tpu.memory_space<vmem>>
    %dma_wait3A_817 = arith.constant 0 : i32
    %dma_wait3A_818 = tpu.memref_slice %arg2[%squeeze3A_385, %dma_wait3A_817] : memref<100000x64xf32, #tpu.memory_space<hbm>> -> memref<1x64xf32, #tpu.memory_space<hbm>>
    %dma_wait3A_819 = tpu.memref_squeeze %dma_wait3A_818 : memref<1x64xf32, #tpu.memory_space<hbm>> -> memref<64xf32, #tpu.memory_space<hbm>>
    %dma_wait3A_820 = arith.constant 0 : i32
    %dma_wait3A_821 = tpu.memref_slice %arg6[%dma_wait3A_813, %dma_wait3A_820] : memref<32x64xf32, #tpu.memory_space<vmem>> -> memref<1x64xf32, #tpu.memory_space<vmem>>
    %dma_wait3A_822 = tpu.memref_squeeze %dma_wait3A_821 : memref<1x64xf32, #tpu.memory_space<vmem>> -> memref<64xf32, #tpu.memory_space<vmem>>
    %dma_wait3A_823 = arith.constant 0 : i32
    %dma_wait3A_824 = tpu.memref_slice %arg2[%squeeze3A_385, %dma_wait3A_823] : memref<100000x64xf32, #tpu.memory_space<hbm>> -> memref<1x64xf32, #tpu.memory_space<hbm>>
    %dma_wait3A_825 = tpu.memref_squeeze %dma_wait3A_824 : memref<1x64xf32, #tpu.memory_space<hbm>> -> memref<64xf32, #tpu.memory_space<hbm>>
    tpu.wait_dma2 semaphore(%arg7 : memref<!tpu.dma_semaphore, #tpu.memory_space<semaphore_mem>>) src(%dma_wait3A_825 : memref<64xf32, #tpu.memory_space<hbm>>) dst(%dma_wait3A_822 : memref<64xf32, #tpu.memory_space<vmem>>)
    %dma_wait3A_826 = arith.constant 26 : i32
    %dma_wait3A_827 = arith.constant 0 : i32
    %dma_wait3A_828 = tpu.memref_slice %arg6[%dma_wait3A_826, %dma_wait3A_827] : memref<32x64xf32, #tpu.memory_space<vmem>> -> memref<1x64xf32, #tpu.memory_space<vmem>>
    %dma_wait3A_829 = tpu.memref_squeeze %dma_wait3A_828 : memref<1x64xf32, #tpu.memory_space<vmem>> -> memref<64xf32, #tpu.memory_space<vmem>>
    %dma_wait3A_830 = arith.constant 0 : i32
    %dma_wait3A_831 = tpu.memref_slice %arg2[%squeeze3A_400, %dma_wait3A_830] : memref<100000x64xf32, #tpu.memory_space<hbm>> -> memref<1x64xf32, #tpu.memory_space<hbm>>
    %dma_wait3A_832 = tpu.memref_squeeze %dma_wait3A_831 : memref<1x64xf32, #tpu.memory_space<hbm>> -> memref<64xf32, #tpu.memory_space<hbm>>
    %dma_wait3A_833 = arith.constant 0 : i32
    %dma_wait3A_834 = tpu.memref_slice %arg6[%dma_wait3A_826, %dma_wait3A_833] : memref<32x64xf32, #tpu.memory_space<vmem>> -> memref<1x64xf32, #tpu.memory_space<vmem>>
    %dma_wait3A_835 = tpu.memref_squeeze %dma_wait3A_834 : memref<1x64xf32, #tpu.memory_space<vmem>> -> memref<64xf32, #tpu.memory_space<vmem>>
    %dma_wait3A_836 = arith.constant 0 : i32
    %dma_wait3A_837 = tpu.memref_slice %arg2[%squeeze3A_400, %dma_wait3A_836] : memref<100000x64xf32, #tpu.memory_space<hbm>> -> memref<1x64xf32, #tpu.memory_space<hbm>>
    %dma_wait3A_838 = tpu.memref_squeeze %dma_wait3A_837 : memref<1x64xf32, #tpu.memory_space<hbm>> -> memref<64xf32, #tpu.memory_space<hbm>>
    tpu.wait_dma2 semaphore(%arg7 : memref<!tpu.dma_semaphore, #tpu.memory_space<semaphore_mem>>) src(%dma_wait3A_838 : memref<64xf32, #tpu.memory_space<hbm>>) dst(%dma_wait3A_835 : memref<64xf32, #tpu.memory_space<vmem>>)
    %dma_wait3A_839 = arith.constant 27 : i32
    %dma_wait3A_840 = arith.constant 0 : i32
    %dma_wait3A_841 = tpu.memref_slice %arg6[%dma_wait3A_839, %dma_wait3A_840] : memref<32x64xf32, #tpu.memory_space<vmem>> -> memref<1x64xf32, #tpu.memory_space<vmem>>
    %dma_wait3A_842 = tpu.memref_squeeze %dma_wait3A_841 : memref<1x64xf32, #tpu.memory_space<vmem>> -> memref<64xf32, #tpu.memory_space<vmem>>
    %dma_wait3A_843 = arith.constant 0 : i32
    %dma_wait3A_844 = tpu.memref_slice %arg2[%squeeze3A_415, %dma_wait3A_843] : memref<100000x64xf32, #tpu.memory_space<hbm>> -> memref<1x64xf32, #tpu.memory_space<hbm>>
    %dma_wait3A_845 = tpu.memref_squeeze %dma_wait3A_844 : memref<1x64xf32, #tpu.memory_space<hbm>> -> memref<64xf32, #tpu.memory_space<hbm>>
    %dma_wait3A_846 = arith.constant 0 : i32
    %dma_wait3A_847 = tpu.memref_slice %arg6[%dma_wait3A_839, %dma_wait3A_846] : memref<32x64xf32, #tpu.memory_space<vmem>> -> memref<1x64xf32, #tpu.memory_space<vmem>>
    %dma_wait3A_848 = tpu.memref_squeeze %dma_wait3A_847 : memref<1x64xf32, #tpu.memory_space<vmem>> -> memref<64xf32, #tpu.memory_space<vmem>>
    %dma_wait3A_849 = arith.constant 0 : i32
    %dma_wait3A_850 = tpu.memref_slice %arg2[%squeeze3A_415, %dma_wait3A_849] : memref<100000x64xf32, #tpu.memory_space<hbm>> -> memref<1x64xf32, #tpu.memory_space<hbm>>
    %dma_wait3A_851 = tpu.memref_squeeze %dma_wait3A_850 : memref<1x64xf32, #tpu.memory_space<hbm>> -> memref<64xf32, #tpu.memory_space<hbm>>
    tpu.wait_dma2 semaphore(%arg7 : memref<!tpu.dma_semaphore, #tpu.memory_space<semaphore_mem>>) src(%dma_wait3A_851 : memref<64xf32, #tpu.memory_space<hbm>>) dst(%dma_wait3A_848 : memref<64xf32, #tpu.memory_space<vmem>>)
    %dma_wait3A_852 = arith.constant 28 : i32
    %dma_wait3A_853 = arith.constant 0 : i32
    %dma_wait3A_854 = tpu.memref_slice %arg6[%dma_wait3A_852, %dma_wait3A_853] : memref<32x64xf32, #tpu.memory_space<vmem>> -> memref<1x64xf32, #tpu.memory_space<vmem>>
    %dma_wait3A_855 = tpu.memref_squeeze %dma_wait3A_854 : memref<1x64xf32, #tpu.memory_space<vmem>> -> memref<64xf32, #tpu.memory_space<vmem>>
    %dma_wait3A_856 = arith.constant 0 : i32
    %dma_wait3A_857 = tpu.memref_slice %arg2[%squeeze3A_430, %dma_wait3A_856] : memref<100000x64xf32, #tpu.memory_space<hbm>> -> memref<1x64xf32, #tpu.memory_space<hbm>>
    %dma_wait3A_858 = tpu.memref_squeeze %dma_wait3A_857 : memref<1x64xf32, #tpu.memory_space<hbm>> -> memref<64xf32, #tpu.memory_space<hbm>>
    %dma_wait3A_859 = arith.constant 0 : i32
    %dma_wait3A_860 = tpu.memref_slice %arg6[%dma_wait3A_852, %dma_wait3A_859] : memref<32x64xf32, #tpu.memory_space<vmem>> -> memref<1x64xf32, #tpu.memory_space<vmem>>
    %dma_wait3A_861 = tpu.memref_squeeze %dma_wait3A_860 : memref<1x64xf32, #tpu.memory_space<vmem>> -> memref<64xf32, #tpu.memory_space<vmem>>
    %dma_wait3A_862 = arith.constant 0 : i32
    %dma_wait3A_863 = tpu.memref_slice %arg2[%squeeze3A_430, %dma_wait3A_862] : memref<100000x64xf32, #tpu.memory_space<hbm>> -> memref<1x64xf32, #tpu.memory_space<hbm>>
    %dma_wait3A_864 = tpu.memref_squeeze %dma_wait3A_863 : memref<1x64xf32, #tpu.memory_space<hbm>> -> memref<64xf32, #tpu.memory_space<hbm>>
    tpu.wait_dma2 semaphore(%arg7 : memref<!tpu.dma_semaphore, #tpu.memory_space<semaphore_mem>>) src(%dma_wait3A_864 : memref<64xf32, #tpu.memory_space<hbm>>) dst(%dma_wait3A_861 : memref<64xf32, #tpu.memory_space<vmem>>)
    %dma_wait3A_865 = arith.constant 29 : i32
    %dma_wait3A_866 = arith.constant 0 : i32
    %dma_wait3A_867 = tpu.memref_slice %arg6[%dma_wait3A_865, %dma_wait3A_866] : memref<32x64xf32, #tpu.memory_space<vmem>> -> memref<1x64xf32, #tpu.memory_space<vmem>>
    %dma_wait3A_868 = tpu.memref_squeeze %dma_wait3A_867 : memref<1x64xf32, #tpu.memory_space<vmem>> -> memref<64xf32, #tpu.memory_space<vmem>>
    %dma_wait3A_869 = arith.constant 0 : i32
    %dma_wait3A_870 = tpu.memref_slice %arg2[%squeeze3A_445, %dma_wait3A_869] : memref<100000x64xf32, #tpu.memory_space<hbm>> -> memref<1x64xf32, #tpu.memory_space<hbm>>
    %dma_wait3A_871 = tpu.memref_squeeze %dma_wait3A_870 : memref<1x64xf32, #tpu.memory_space<hbm>> -> memref<64xf32, #tpu.memory_space<hbm>>
    %dma_wait3A_872 = arith.constant 0 : i32
    %dma_wait3A_873 = tpu.memref_slice %arg6[%dma_wait3A_865, %dma_wait3A_872] : memref<32x64xf32, #tpu.memory_space<vmem>> -> memref<1x64xf32, #tpu.memory_space<vmem>>
    %dma_wait3A_874 = tpu.memref_squeeze %dma_wait3A_873 : memref<1x64xf32, #tpu.memory_space<vmem>> -> memref<64xf32, #tpu.memory_space<vmem>>
    %dma_wait3A_875 = arith.constant 0 : i32
    %dma_wait3A_876 = tpu.memref_slice %arg2[%squeeze3A_445, %dma_wait3A_875] : memref<100000x64xf32, #tpu.memory_space<hbm>> -> memref<1x64xf32, #tpu.memory_space<hbm>>
    %dma_wait3A_877 = tpu.memref_squeeze %dma_wait3A_876 : memref<1x64xf32, #tpu.memory_space<hbm>> -> memref<64xf32, #tpu.memory_space<hbm>>
    tpu.wait_dma2 semaphore(%arg7 : memref<!tpu.dma_semaphore, #tpu.memory_space<semaphore_mem>>) src(%dma_wait3A_877 : memref<64xf32, #tpu.memory_space<hbm>>) dst(%dma_wait3A_874 : memref<64xf32, #tpu.memory_space<vmem>>)
    %dma_wait3A_878 = arith.constant 30 : i32
    %dma_wait3A_879 = arith.constant 0 : i32
    %dma_wait3A_880 = tpu.memref_slice %arg6[%dma_wait3A_878, %dma_wait3A_879] : memref<32x64xf32, #tpu.memory_space<vmem>> -> memref<1x64xf32, #tpu.memory_space<vmem>>
    %dma_wait3A_881 = tpu.memref_squeeze %dma_wait3A_880 : memref<1x64xf32, #tpu.memory_space<vmem>> -> memref<64xf32, #tpu.memory_space<vmem>>
    %dma_wait3A_882 = arith.constant 0 : i32
    %dma_wait3A_883 = tpu.memref_slice %arg2[%squeeze3A_460, %dma_wait3A_882] : memref<100000x64xf32, #tpu.memory_space<hbm>> -> memref<1x64xf32, #tpu.memory_space<hbm>>
    %dma_wait3A_884 = tpu.memref_squeeze %dma_wait3A_883 : memref<1x64xf32, #tpu.memory_space<hbm>> -> memref<64xf32, #tpu.memory_space<hbm>>
    %dma_wait3A_885 = arith.constant 0 : i32
    %dma_wait3A_886 = tpu.memref_slice %arg6[%dma_wait3A_878, %dma_wait3A_885] : memref<32x64xf32, #tpu.memory_space<vmem>> -> memref<1x64xf32, #tpu.memory_space<vmem>>
    %dma_wait3A_887 = tpu.memref_squeeze %dma_wait3A_886 : memref<1x64xf32, #tpu.memory_space<vmem>> -> memref<64xf32, #tpu.memory_space<vmem>>
    %dma_wait3A_888 = arith.constant 0 : i32
    %dma_wait3A_889 = tpu.memref_slice %arg2[%squeeze3A_460, %dma_wait3A_888] : memref<100000x64xf32, #tpu.memory_space<hbm>> -> memref<1x64xf32, #tpu.memory_space<hbm>>
    %dma_wait3A_890 = tpu.memref_squeeze %dma_wait3A_889 : memref<1x64xf32, #tpu.memory_space<hbm>> -> memref<64xf32, #tpu.memory_space<hbm>>
    tpu.wait_dma2 semaphore(%arg7 : memref<!tpu.dma_semaphore, #tpu.memory_space<semaphore_mem>>) src(%dma_wait3A_890 : memref<64xf32, #tpu.memory_space<hbm>>) dst(%dma_wait3A_887 : memref<64xf32, #tpu.memory_space<vmem>>)
    %dma_wait3A_891 = arith.constant 31 : i32
    %dma_wait3A_892 = arith.constant 0 : i32
    %dma_wait3A_893 = tpu.memref_slice %arg6[%dma_wait3A_891, %dma_wait3A_892] : memref<32x64xf32, #tpu.memory_space<vmem>> -> memref<1x64xf32, #tpu.memory_space<vmem>>
    %dma_wait3A_894 = tpu.memref_squeeze %dma_wait3A_893 : memref<1x64xf32, #tpu.memory_space<vmem>> -> memref<64xf32, #tpu.memory_space<vmem>>
    %dma_wait3A_895 = arith.constant 0 : i32
    %dma_wait3A_896 = tpu.memref_slice %arg2[%squeeze3A_475, %dma_wait3A_895] : memref<100000x64xf32, #tpu.memory_space<hbm>> -> memref<1x64xf32, #tpu.memory_space<hbm>>
    %dma_wait3A_897 = tpu.memref_squeeze %dma_wait3A_896 : memref<1x64xf32, #tpu.memory_space<hbm>> -> memref<64xf32, #tpu.memory_space<hbm>>
    %dma_wait3A_898 = arith.constant 0 : i32
    %dma_wait3A_899 = tpu.memref_slice %arg6[%dma_wait3A_891, %dma_wait3A_898] : memref<32x64xf32, #tpu.memory_space<vmem>> -> memref<1x64xf32, #tpu.memory_space<vmem>>
    %dma_wait3A_900 = tpu.memref_squeeze %dma_wait3A_899 : memref<1x64xf32, #tpu.memory_space<vmem>> -> memref<64xf32, #tpu.memory_space<vmem>>
    %dma_wait3A_901 = arith.constant 0 : i32
    %dma_wait3A_902 = tpu.memref_slice %arg2[%squeeze3A_475, %dma_wait3A_901] : memref<100000x64xf32, #tpu.memory_space<hbm>> -> memref<1x64xf32, #tpu.memory_space<hbm>>
    %dma_wait3A_903 = tpu.memref_squeeze %dma_wait3A_902 : memref<1x64xf32, #tpu.memory_space<hbm>> -> memref<64xf32, #tpu.memory_space<hbm>>
    tpu.wait_dma2 semaphore(%arg7 : memref<!tpu.dma_semaphore, #tpu.memory_space<semaphore_mem>>) src(%dma_wait3A_903 : memref<64xf32, #tpu.memory_space<hbm>>) dst(%dma_wait3A_900 : memref<64xf32, #tpu.memory_space<vmem>>)
    "tpu.region"() ({
      %run_scoped3A = tpu.sem_alloc : memref<!tpu.dma_semaphore, #tpu.memory_space<semaphore_mem>>
      %dma_start3A_904 = arith.constant 0 : i32
      %dma_start3A_905 = tpu.memref_slice %arg4[%mul3A_2, %dma_start3A_904] : memref<1024x64xf32, #tpu.memory_space<hbm>> -> memref<32x64xf32, #tpu.memory_space<hbm>>
      %dma_start3A_906 = arith.constant 0 : i32
      %dma_start3A_907 = tpu.memref_slice %arg4[%mul3A_2, %dma_start3A_906] : memref<1024x64xf32, #tpu.memory_space<hbm>> -> memref<32x64xf32, #tpu.memory_space<hbm>>
      tpu.enqueue_dma source(%arg6 : memref<32x64xf32, #tpu.memory_space<vmem>>) target(%dma_start3A_907 : memref<32x64xf32, #tpu.memory_space<hbm>>) target_semaphore(%run_scoped3A : memref<!tpu.dma_semaphore, #tpu.memory_space<semaphore_mem>>)
      %dma_wait3A_908 = arith.constant 0 : i32
      %dma_wait3A_909 = tpu.memref_slice %arg4[%mul3A_2, %dma_wait3A_908] : memref<1024x64xf32, #tpu.memory_space<hbm>> -> memref<32x64xf32, #tpu.memory_space<hbm>>
      %dma_wait3A_910 = arith.constant 0 : i32
      %dma_wait3A_911 = tpu.memref_slice %arg4[%mul3A_2, %dma_wait3A_910] : memref<1024x64xf32, #tpu.memory_space<hbm>> -> memref<32x64xf32, #tpu.memory_space<hbm>>
      tpu.wait_dma2 semaphore(%run_scoped3A : memref<!tpu.dma_semaphore, #tpu.memory_space<semaphore_mem>>) src(%arg6 : memref<32x64xf32, #tpu.memory_space<vmem>>) dst(%dma_wait3A_911 : memref<32x64xf32, #tpu.memory_space<hbm>>)
      tpu.yield
    }) : () -> ()
    return
  }
}

</mosaic_0001>

<sc_bundles>
// kernel: kernel.3.cloned.1.call-start
scs
__scs_entry_jumppad:
0x0: {  	(pc) =	sbr.rel $0x88, $3  }
0x1: {  	(tag) =	ssettag $0x0;
	lr =	simm.s32 $0x1  }
0x2: {  	[smem:$0x3F9F] =	sst lr;
	_ =	strace $0xD0000000  }
0x3: {  	_ = 	snop  }
0x4: {  	_ = 	snop  }
0x5: {  	_ = 	snop  }
0x6: {  	_ = 	snop  }
0x7: {  	_ = 	snop  }
__scs_overlays_trampoline_lowered:
0x8: {  	[smem:$0x3FAE] =	sst s0  }
0x9: {  	[smem:$0x3FAF] =	sst s1  }
0xa: {  	[smem:$0x3FB0] =	sst s2  }
0xb: {  	[smem:$0x3FB1] =	sst s3  }
0xc: {  	[smem:$0x3FB2] =	sst s4  }
0xd: {  	[smem:$0x3FB3] =	sst s5  }
0xe: {  	[smem:$0x3FB4] =	sst s6  }
0xf: {  	[smem:$0x3FB5] =	sst s7  }
0x10: {  	[smem:$0x3FB6] =	sst s8  }
0x11: {  	[smem:$0x3FB7] =	sst s9;
	s0 =	simm.s32 @!p0 $0x0  }
0x12: {  	s1 =	sld [smem:$0x3F9D];
	s0 =	simm.s32 @p0 $0x1  }
0x13: {  	[smem:$0x3FB8] =	sst s0;
	s0 =	simm.s32 @!p1 $0x0  }
0x14: {  	s2 =	sld [smem:$0x3F9C];
	s0 =	simm.s32 @p1 $0x1  }
0x15: {  	[smem:$0x3FB9] =	sst s0;
	s0 =	simm.s32 @!p2 $0x0  }
0x16: {  	s3 =	sld [smem:$0x3FDB];
	s0 =	simm.s32 @p2 $0x1  }
0x17: {  	s4 =	simm.s32 $0x1BF5;
	[smem:$0x3FBB] =	sst s0  }
0x18: {  	s0 =	sld [smem:$0x3F9E];
	_ =	swait.ge [sflag:s4], $0x0  }
0x19: {  	s7 =	sld [smem:$0x3F9F]  }
0x1a: {  	s8 =	sadd.s32 $0xFFFFE003, lr  }
0x1b: {  	s9 =	sadd.s32 $0xFFFFFEF7, lr;
	s5 =	simm.s32 $0xFFFFFFFF;
	p2 =	slt.u32 s8, $0xFFFFF086  }
0x1c: {  	p1 =	slt.u32 s9, $0xF7A;
	s5 =	simm.s32 @!p2 $0x0  }
0x1d: {  	s5 =	simm.s32 @p1 $0x1;
	p0 =	seq.s32 s7, s2  }
0x1e: {  	s7 =	smul.u32 @!p0 $0xF7A, s2;
	p2 =	seq.s32 @!p0 s5, $0x0  }
0x1f: {  	s9 =	smul.u32 $0xF7A, s1;
	s8 =	simm.s32 @!p0 $0x1BF5;
	p2 =	por !p2, p0  }
0x20: {  	[sflag:s8] =	ssyncset.s32 @!p0 $0xFFFFF086;
	s6 =	sadd.s32 @!p0 s3, s7;
	s7 =	simm.s32 @!p0 $0x108  }
0x21: {  	s3 =	sadd.s32 s3, s9;
	s6 =	sadd.s32 @!p0 $0x88, s6;
	s7 =	simm.s32 @p2 $0x1082  }
0x22: {  	[simem:s7], [sflag:s8] =	dma.local @!p0 [hbm:s6], $0xF7A  }
0x23: {  	s9 =	sor.u32 $0xD0000000, s2;
	s6 =	simm.s32 $0x108;
	_ =	swait.ge @!p0 [sflag:s8], $0x0  }
0x24: {  	s3 =	sadd.s32 $0x88, s3;
	s6 =	simm.s32 @!p1 $0x1082;
	[sflag:s4] =	ssyncset.s32 $0xFFFFF086  }
0x25: {  	[simem:s6], [sflag:s4] =	dma.local [hbm:s3], $0xF7A  }
0x26: {  	[smem:$0x3F9F] =	sst s1;
	(tag) =	ssettag s2;
	_ =	strace s9  }
0x27: {  	s1 =	sld [smem:$0x3FAF]  }
0x28: {  	s2 =	sld [smem:$0x3FB0]  }
0x29: {  	s4 =	sld [smem:$0x3FB2]  }
0x2a: {  	p0 =	seq.s32 s5, $0x0;
	s5 =	sld [smem:$0x3FB3]  }
0x2b: {  	s6 =	sld [smem:$0x3FB4]  }
0x2c: {  	s7 =	sld [smem:$0x3FB5]  }
0x2d: {  	s3 =	simm.s32 $0x108;
	s8 =	sld [smem:$0x3FB6]  }
0x2e: {  	s3 =	simm.s32 @!p0 $0x1082;
	s9 =	sld [smem:$0x3FB7]  }
0x2f: {  	lr =	sadd.s32 s0, s3;
	s0 =	sld [smem:$0x3FAE]  }
0x30: {  	s3 =	sld [smem:$0x3FB1]  }
0x31: {  	[smem:$0x3FBA] =	sst s10  }
0x32: {  	s10 =	sld [smem:$0x3FB8];
	_ =	sdelay $0x3  }
0x33: {  	p0 =	seq.s32 s10, $0x1;
	s10 =	sld [smem:$0x3FBA];
	_ =	sdelay $0x3  }
0x34: {  	[smem:$0x3FBA] =	sst s10  }
0x35: {  	s10 =	sld [smem:$0x3FB9];
	_ =	sdelay $0x3  }
0x36: {  	p1 =	seq.s32 s10, $0x1;
	s10 =	sld [smem:$0x3FBA];
	_ =	sdelay $0x3  }
0x37: {  	[smem:$0x3FBA] =	sst s10  }
0x38: {  	s10 =	sld [smem:$0x3FBB]  }
0x39: {  	_ = 	snop;
	(pc) =	sbr.ind lr, $3  }
0x3a: {  	_ = 	snop  }
0x3b: {  	_ = 	snop  }
0x3c: {  	p2 =	seq.s32 s10, $0x1;
	s10 =	sld [smem:$0x3FBA]  }
0x3d: {  	_ =	shalt  }
0x3e: {  	_ =	shalt  }
0x3f: {  	_ =	shalt  }
0x40: {  	_ =	shalt  }
0x41: {  	_ =	shalt  }
0x42: {  	_ =	shalt  }
0x43: {  	_ =	shalt  }
0x44: {  	_ =	shalt  }
0x45: {  	_ =	shalt  }
0x46: {  	_ =	shalt  }
0x47: {  	_ =	shalt  }
0x48: {  	_ =	shalt  }
0x49: {  	_ =	shalt  }
0x4a: {  	_ =	shalt  }
0x4b: {  	_ =	shalt  }
0x4c: {  	_ =	shalt  }
0x4d: {  	_ =	shalt  }
0x4e: {  	_ =	shalt  }
0x4f: {  	_ =	shalt  }
0x50: {  	_ =	shalt  }
0x51: {  	_ =	shalt  }
0x52: {  	_ =	shalt  }
0x53: {  	_ =	shalt  }
0x54: {  	_ =	shalt  }
0x55: {  	_ =	shalt  }
0x56: {  	_ =	shalt  }
0x57: {  	_ =	shalt  }
0x58: {  	_ =	shalt  }
0x59: {  	_ =	shalt  }
0x5a: {  	_ =	shalt  }
0x5b: {  	_ =	shalt  }
0x5c: {  	_ =	shalt  }
0x5d: {  	_ =	shalt  }
0x5e: {  	_ =	shalt  }
0x5f: {  	_ =	shalt  }
0x60: {  	_ =	shalt  }
0x61: {  	_ =	shalt  }
0x62: {  	_ =	shalt  }
0x63: {  	_ =	shalt  }
0x64: {  	_ =	shalt  }
0x65: {  	_ =	shalt  }
0x66: {  	_ =	shalt  }
0x67: {  	_ =	shalt  }
0x68: {  	_ =	shalt  }
0x69: {  	_ =	shalt  }
0x6a: {  	_ =	shalt  }
0x6b: {  	_ =	shalt  }
0x6c: {  	_ =	shalt  }
0x6d: {  	_ =	shalt  }
0x6e: {  	_ =	shalt  }
0x6f: {  	_ =	shalt  }
0x70: {  	_ =	shalt  }
0x71: {  	_ =	shalt  }
0x72: {  	_ =	shalt  }
0x73: {  	_ =	shalt  }
0x74: {  	_ =	shalt  }
0x75: {  	_ =	shalt  }
0x76: {  	_ =	shalt  }
0x77: {  	_ =	shalt  }
0x78: {  	_ =	shalt  }
0x79: {  	_ =	shalt  }
0x7a: {  	_ =	shalt  }
0x7b: {  	_ =	shalt  }
0x7c: {  	_ =	shalt  }
0x7d: {  	_ =	shalt  }
0x7e: {  	_ =	shalt  }
0x7f: {  	_ =	shalt  }
0x80: {  	_ =	shalt  }
0x81: {  	_ =	shalt  }
0x82: {  	_ =	shalt  }
0x83: {  	_ =	shalt  }
0x84: {  	_ =	shalt  }
0x85: {  	_ =	shalt  }
0x86: {  	_ =	shalt  }
0x87: {  	_ =	shalt  }
.Lfunc_end0:
.L_simem_size_0:
called_computation_lowered:
.L_overlay_start_0:
0x88: {  	s2 =	sld [smem:$0x3FD9]  }
0x89: {  	s3 =	sld [smem:$0x3FFE];
	_ =	sdelay $0x1  }
0x8a: {  	s1 =	srdreg.scid  }
0x8b: {  	s0 =	sand.u32 $0x1, s1  }
0x8c: {  	s16 =	sshll.u32 s0, $0xA;
	s2 =	sadd.s32 s3, s2  }
0x8d: {  	s2 =	sadd.s32 s2, s16  }
0x8e: {  	[smem:$0x3FC6] =	sst s2  }
0x8f: {  	_ = 	snop  }
0x90: {  	(tm) =	ssettm $0x1  }
0x91: {  	s17 =	sld [smem:$0x3FFB];
	_ =	sdelay $0x3  }
0x92: {  	_ =	strace s17  }
0x93: {  	s2 =	sld [smem:$0x3FFC];
	_ =	sdelay $0x3  }
0x94: {  	_ =	strace s2  }
0x95: {  	s2 =	sld [smem:$0x3FFD];
	_ =	sdelay $0x3  }
0x96: {  	_ =	strace s2  }
0x97: {  	_ =	strace $0x8FFFFFFF  }
0x98: {  	s18 =	sld [smem:$0x3FDB];
	_ =	sdelay $0x1  }
0x99: {  	s19 =	simm.s32 $_scs_section_size  }
0x9a: {  	s4 =	simm.s32 $_size__tile_overlayer_lowered;
	s5 =	simm.s32 $_tile_overlayer_lowered  }
0x9b: {  	s22 =	simm.s32 $0x1BFF;
	s21 =	sshll.u32 s5, $0x1;
	s2 =	sadd.s32 s19, s18  }
0x9c: {  	s6 =	simm.s32 $0x0;
	s20 =	sshll.u32 s4, $0x1;
	s4 =	sadd.s32 s21, s2  }
0x9d: {  	[timem:s6], [sflag:s22] =	dma.local [hbm:s4], s20  }
0x9e: {  	_ =	swait.ge [sflag:s22], s20  }
0x9f: {  	s3 =	ssub.s32 $0x0, s20;
	[sflag:s22] =	ssyncset.done $0x0  }
0xa0: {  	[sflag:s22] =	ssyncadd.s32 s3;
	_ =	sdelay $0x1  }
0xa1: {  	s23 =	simm.s32 $0x1B8B  }
0xa2: {  	_ =	swait.ge [sflag:s23], $0x1  }
0xa3: {  	[sflag:s23] =	ssyncset.done $0x0  }
0xa4: {  	s25 =	simm.s32 $0x1B8E;
	s24 =	sld [smem:$0x3FFE];
	[sflag:s23] =	ssyncadd.s32 $0xFFFFFFFF  }
0xa5: {  	s26 =	simm.s32 $execute0_lowered;
	[smem:$0x3FD2] =	sst s25  }
0xa6: {  	s4 =	sshll.u32 s26, $0x1;
	_ =	strace $0x80000046;
	[dreg:$0x1] =	wrdreg $0xFFFFFFFF  }
0xa7: {  	s28 =	simm.s32 $_size_execute0_lowered;
	s2 =	sadd.s32 s2, s4;
	[dreg:$0x0] =	wrdreg $0x0  }
0xa8: {  	s4 =	sshll.u32 s28, $0x1;
	[dreg:$0x2] =	wrdreg s2  }
0xa9: {  	[dreg:$0x3] =	wrdreg s4  }
0xaa: {  	[dreg:$0x4] =	wrdreg $0xC0  }
0xab: {  	_ =	task [dreg:s6], $0x5FFFF  }
0xac: {  	[dreg:$0x1] =	wrdreg $0xFFFFFFFF  }
0xad: {  	[dreg:$0x0] =	wrdreg $0x60  }
0xae: {  	[dreg:$0x2] =	wrdreg s24  }
0xaf: {  	[dreg:$0x3] =	wrdreg $0x9  }
0xb0: {  	_ =	task.clear_ibuf [dreg:s6], $0x4FFFF;
	_ =	strace $0x90000046  }
0xb1: {  	s29 =	simm.s32 $0x9;
	_ =	strace $0x80000048  }
0xb2: {  	_ =	swait.ge [sflag:s29], $0x1  }
0xb3: {  	[sflag:s29] =	ssyncadd.s32 $0xFFFFFFFF  }
0xb4: {  	_ =	strace $0x90000048  }
0xb5: {  	_ =	sfence  }
0xb6: {  	s30 =	sld [smem:$0x0];
	_ =	sdelay $0x2  }
0xb7: {  	s31 =	sshll.u32 s1, $0xD;
	s1 =	sshrl.u32 s1, $0x2  }
0xb8: {  	s3 =	sand.u32 $0x4000, s31;
	s1 =	sadd.s32 s1, s30  }
0xb9: {  	s0 =	sor.u32 s3, s0;
	s1 =	sshll.u32 s1, $0x11  }
0xba: {  	s0 =	sor.u32 s1, s0  }
0xbb: {  	s0 =	sadd.s32 $0x8F2B, s0  }
0xbc: {  	[sflag:s0] =	ssyncadd.remote.s32 $0x1  }
0xbd: {  	_ =	sfence.sel $0xFFFF  }
0xbe: {  	[dreg:$0x0] =	wrdreg $0xFFFFFFFF;
	(pc) =	sbr.abs _section_cstart, $3  }
0xbf: {  	[dreg:$0x1] =	wrdreg $0xFFFFFFFF  }
0xc0: {  	_ =	task.clear_ibuf [dreg:s6], $0x2FFFF;
	_ =	strace $0x9FFFFFFF  }
0xc1: {  	(tm) =	ssettm $0x7FFFFFFF  }
tec
execute0_lowered:
.L_overlay_start_1:
0x0: {  	(tag) =	ssettag $0x1  }
0x1: {  	s1 =	srdreg.scid;
	s4 =	rddreg [dreg:$0x0]  }
0x2: {  	s2 =	simm.s32 $0x0;
	s3 =	sand.u32 $0x1, s1;
	s1 =	rddreg [dreg:$0x1]  }
0x3: {  	s24 =	simm.s32 $0x1080;
	[smem:$0x7FF] =	sst s2  }
0x4: {  	s25 =	simm.s32 $0x1100;
	_ =	strace $0x80000047;
	[dreg:$0x4] =	wrdreg s24  }
0x5: {  	s26 =	simm.s32 $0x1180;
	[dreg:$0x5] =	wrdreg s25  }
0x6: {  	s28 =	simm.s32 $0x1200;
	[dreg:$0x6] =	wrdreg s26  }
0x7: {  	s29 =	simm.s32 $0x1280;
	[dreg:$0x7] =	wrdreg s28  }
0x8: {  	s30 =	simm.s32 $0x1300;
	[dreg:$0x8] =	wrdreg s29  }
0x9: {  	s31 =	simm.s32 $0x1380;
	[dreg:$0x9] =	wrdreg s30  }
0xa: {  	s7 =	simm.s32 $0x1480;
	[dreg:$0xa] =	wrdreg s31  }
0xb: {  	s8 =	simm.s32 $0x1500;
	[dreg:$0xc] =	wrdreg s7  }
0xc: {  	s9 =	simm.s32 $0x1580;
	[dreg:$0xd] =	wrdreg s8  }
0xd: {  	s10 =	simm.s32 $0x1600;
	[dreg:$0xe] =	wrdreg s9  }
0xe: {  	s11 =	simm.s32 $0x1680;
	[dreg:$0xf] =	wrdreg s10  }
0xf: {  	s12 =	simm.s32 $0x1700;
	[dreg:$0x10] =	wrdreg s11  }
0x10: {  	s13 =	simm.s32 $0x1780;
	[dreg:$0x11] =	wrdreg s12  }
0x11: {  	s14 =	simm.s32 $0x1800;
	[dreg:$0x12] =	wrdreg s13  }
0x12: {  	s15 =	simm.s32 $0x1880;
	[dreg:$0x13] =	wrdreg s14  }
0x13: {  	s16 =	simm.s32 $0x1900;
	[dreg:$0x14] =	wrdreg s15  }
0x14: {  	s17 =	simm.s32 $0x1980;
	[dreg:$0x15] =	wrdreg s16  }
0x15: {  	s18 =	simm.s32 $0x1A00;
	[dreg:$0x16] =	wrdreg s17  }
0x16: {  	s19 =	simm.s32 $0x1A80;
	[dreg:$0x17] =	wrdreg s18  }
0x17: {  	s0 =	stileid.u32;
	s20 =	simm.s32 $0x1B00;
	[dreg:$0x18] =	wrdreg s19  }
0x18: {  	s21 =	simm.s32 $0x1B80;
	s22 =	simm.s32 $0x1C00;
	[dreg:$0x19] =	wrdreg s20  }
0x19: {  	s5 =	sshll.u32 s0, $0xA;
	s6 =	sshll.u32 s3, $0x9;
	[dreg:$0x1a] =	wrdreg s21  }
0x1a: {  	[dreg:$0x1b] =	wrdreg s22;
	s3 =	ssub.s32 $0x2, s3;
	s24 =	simm.s32 $0x1D00  }
0x1b: {  	s26 =	simm.s32 $0x1D80;
	s28 =	simm.s32 $0x1E00;
	[dreg:$0x1d] =	wrdreg s24  }
0x1c: {  	s29 =	simm.s32 $0x1E80;
	s30 =	simm.s32 $0x1F00;
	[dreg:$0x1e] =	wrdreg s26  }
0x1d: {  	s31 =	simm.s32 $0x1F80;
	s25 =	sshrl.u32 s3, $0x1;
	[dreg:$0x1f] =	wrdreg s28  }
0x1e: {  	s5 =	sor.u32 s6, s5;
	[smem:$0x7FB] =	sst s29;
	s3 =	ssub.s32 s3, s25  }
0x1f: {  	s6 =	simm.s32 $0x1400;
	[smem:$0x7FC] =	sst s30;
	s7 =	smax.u32 s3, $0x1  }
0x20: {  	[smem:$0x7FD] =	sst s31;
	s5 =	sadd.s32 s5, s4;
	p1 =	sne.s32 s7, $0x1  }
.Ltmp0:
0x21: {  	[dreg:$0xb] =	wrdreg s6;
	s23 =	sadd.s32 $0x400, s5;
	(pc) =	sbr.rel @!p1 .LBB2_3-.Ltmp0, $4  }
0x22: {  	v0 =	vlaneseq.u32;
	p0 =	por $0x0, $0x0;
	s5 =	sadd.s32 $0x18AE00, s5;
	[dreg:$0x2] =	wrdreg s23  }
0x23: {  	v1 =	vmul.u32 $0x80, v0;
	s6 =	sadd.s32 $0x4400, s4;
	[dreg:$0x3] =	wrdreg s5;
	s23 =	simm.s32 $0x1C80  }
0x24: {  	s4 =	simm.s32 $0x1000;
	s3 =	simm.s32 $0x2;
	[dreg:$0x1c] =	wrdreg s23  }
0x25: {  	v0 =	vor.u32 $0x800, v1;
	s5 =	simm.s32 $0x1;
	s7 =	sadd.s32 $0xFFFFFFFF, s7;
	s8 =	rddreg [dreg:$0x2]  }
0x26: {  	[tilespmem:s2], [sflag:$0x2] =	stream.linear.gather [hbm4b:s8+s2], $0x1000, $0x38;
	[tilespmem:$0x2000] =	vst v63  }
0x27: {  	_ =	swait.ge [sflag:s3], $0x1000  }
0x28: {  	[sflag:s3] =	ssyncset.done $0x0  }
0x29: {  	[sflag:s3] =	ssyncadd.s32 $0xFFFFF000  }
0x2a: {  	v2 =	vld.idx.msk [tilespmem:v1+s2+$0x0], $0xffff;
	_ =	sdelay $0x4  }
0x2b: {  	v2 =	vtrunc.f32 v2  }
0x2c: {  	v2 =	vcvt.f32.s32 v2;
	_ =	sdelay $0x1  }
0x2d: {  	v2 =	vshll.u32 v2, $0x4  }
0x2e: {  	(v2sf) =	vpush v2, $0x0  }
0x2f: {  	(v2sf) =	vpush v2, $0x1  }
0x30: {  	(v2sf) =	vpush v2, $0x2;
	_ =	sdelay $0x1  }
0x31: {  	s9 =	rddreg [dreg:$0x10];
	(v2sf) =	vpush v2, $0x3  }
0x32: {  	s10 =	rddreg [dreg:$0xf]  }
0x33: {  	s11 =	rddreg [dreg:$0xe];
	(v2sf) =	vpush v2, $0x4  }
0x34: {  	s12 =	rddreg [dreg:$0xd]  }
0x35: {  	s13 =	rddreg [dreg:$0xc];
	(v2sf) =	vpush v2, $0x5  }
0x36: {  	s14 =	rddreg [dreg:$0xb]  }
0x37: {  	s15 =	rddreg [dreg:$0xa];
	(v2sf) =	vpush v2, $0x6  }
0x38: {  	s16 =	rddreg [dreg:$0x9]  }
0x39: {  	s17 =	rddreg [dreg:$0x8];
	(v2sf) =	vpush v2, $0x7  }
0x3a: {  	s18 =	rddreg [dreg:$0x7]  }
0x3b: {  	s19 =	rddreg [dreg:$0x6];
	(v2sf) =	vpush v2, $0x8  }
0x3c: {  	s20 =	rddreg [dreg:$0x5];
	s21 =	spop (v2sf)  }
0x3d: {  	s22 =	rddreg [dreg:$0x4];
	s21 =	sand.u32 $0x1FFFFFF0, s21;
	s23 =	spop (v2sf);
	(v2sf) =	vpush v2, $0x9  }
0x3e: {  	s21 =	sadd.s32 s6, s21;
	s23 =	sand.u32 $0x1FFFFFF0, s23;
	s24 =	spop (v2sf)  }
0x3f: {  	(v2sf) =	vpush v2, $0xA;
	[tilespmem:s4], [sflag:$0x1] =	stream.linear.gather [hbm4b:s21+s2], $0x80, $0x38;
	[tilespmem:$0x2000] =	vst v63  }
0x40: {  	s29 =	sadd.s32 s6, s23;
	s30 =	sand.u32 $0x1FFFFFF0, s24;
	s31 =	spop (v2sf)  }
0x41: {  	(v2sf) =	vpush v2, $0xB;
	[tilespmem:s22], [sflag:$0x1] =	stream.linear.gather [hbm4b:s29+s2], $0x80, $0x38;
	[tilespmem:$0x2000] =	vst v63  }
0x42: {  	s25 =	sadd.s32 s6, s30;
	s26 =	sand.u32 $0x1FFFFFF0, s31;
	s28 =	spop (v2sf)  }
0x43: {  	(v2sf) =	vpush v2, $0xC;
	[tilespmem:s20], [sflag:$0x1] =	stream.linear.gather [hbm4b:s25+s2], $0x80, $0x38;
	[tilespmem:$0x2000] =	vst v63  }
0x44: {  	s29 =	sadd.s32 s6, s26;
	s30 =	sand.u32 $0x1FFFFFF0, s28;
	s31 =	spop (v2sf)  }
0x45: {  	(v2sf) =	vpush v2, $0xD;
	[tilespmem:s19], [sflag:$0x1] =	stream.linear.gather [hbm4b:s29+s2], $0x80, $0x38;
	[tilespmem:$0x2000] =	vst v63  }
0x46: {  	s21 =	sadd.s32 s6, s30;
	s23 =	sand.u32 $0x1FFFFFF0, s31;
	s24 =	spop (v2sf)  }
0x47: {  	(v2sf) =	vpush v2, $0xE;
	[tilespmem:s18], [sflag:$0x1] =	stream.linear.gather [hbm4b:s21+s2], $0x80, $0x38;
	[tilespmem:$0x2000] =	vst v63  }
0x48: {  	s25 =	sadd.s32 s6, s23;
	s26 =	sand.u32 $0x1FFFFFF0, s24;
	s28 =	spop (v2sf)  }
0x49: {  	(v2sf) =	vpush v2, $0xF;
	[tilespmem:s17], [sflag:$0x1] =	stream.linear.gather [hbm4b:s25+s2], $0x80, $0x38;
	[tilespmem:$0x2000] =	vst v63  }
0x4a: {  	s30 =	sand.u32 $0x1FFFFFF0, s28;
	s31 =	spop (v2sf);
	s29 =	sadd.s32 s6, s26  }
0x4b: {  	[tilespmem:s16], [sflag:$0x1] =	stream.linear.gather [hbm4b:s29+s2], $0x80, $0x38;
	[tilespmem:$0x2000] =	vst v63  }
0x4c: {  	s20 =	sand.u32 $0x1FFFFFF0, s31;
	s18 =	sadd.s32 s6, s30;
	s21 =	spop (v2sf)  }
0x4d: {  	[tilespmem:s15], [sflag:$0x1] =	stream.linear.gather [hbm4b:s18+s2], $0x80, $0x38;
	[tilespmem:$0x2000] =	vst v63  }
0x4e: {  	s22 =	sadd.s32 s6, s20;
	s23 =	sand.u32 $0x1FFFFFF0, s21;
	s24 =	spop (v2sf)  }
0x4f: {  	[tilespmem:s14], [sflag:$0x1] =	stream.linear.gather [hbm4b:s22+s2], $0x80, $0x38;
	[tilespmem:$0x2000] =	vst v63  }
0x50: {  	s25 =	sadd.s32 s6, s23;
	s26 =	sand.u32 $0x1FFFFFF0, s24;
	s28 =	spop (v2sf)  }
0x51: {  	[tilespmem:s13], [sflag:$0x1] =	stream.linear.gather [hbm4b:s25+s2], $0x80, $0x38;
	[tilespmem:$0x2000] =	vst v63  }
0x52: {  	s29 =	sadd.s32 s6, s26;
	s30 =	sand.u32 $0x1FFFFFF0, s28;
	s31 =	spop (v2sf)  }
0x53: {  	[tilespmem:s12], [sflag:$0x1] =	stream.linear.gather [hbm4b:s29+s2], $0x80, $0x38;
	[tilespmem:$0x2000] =	vst v63  }
0x54: {  	s14 =	sadd.s32 s6, s30;
	s15 =	sand.u32 $0x1FFFFFF0, s31;
	s16 =	spop (v2sf)  }
0x55: {  	[tilespmem:s11], [sflag:$0x1] =	stream.linear.gather [hbm4b:s14+s2], $0x80, $0x38;
	[tilespmem:$0x2000] =	vst v63  }
0x56: {  	s17 =	sadd.s32 s6, s15;
	s18 =	sand.u32 $0x1FFFFFF0, s16;
	s19 =	spop (v2sf)  }
0x57: {  	[tilespmem:s10], [sflag:$0x1] =	stream.linear.gather [hbm4b:s17+s2], $0x80, $0x38;
	[tilespmem:$0x2000] =	vst v63  }
0x58: {  	s20 =	sadd.s32 s6, s18;
	s21 =	sand.u32 $0x1FFFFFF0, s19;
	s22 =	spop (v2sf)  }
0x59: {  	[tilespmem:s9], [sflag:$0x1] =	stream.linear.gather [hbm4b:s20+s2], $0x80, $0x38;
	[tilespmem:$0x2000] =	vst v63  }
0x5a: {  	s8 =	rddreg [dreg:$0x11];
	s23 =	sadd.s32 s6, s21;
	s24 =	sand.u32 $0x1FFFFFF0, s22  }
0x5b: {  	[tilespmem:s8], [sflag:$0x1] =	stream.linear.gather [hbm4b:s23+s2], $0x80, $0x38;
	[tilespmem:$0x2000] =	vst v63  }
0x5c: {  	s25 =	rddreg [dreg:$0x12];
	s26 =	sadd.s32 s6, s24  }
0x5d: {  	[tilespmem:s25], [sflag:$0x1] =	stream.linear.gather [hbm4b:s26+s2], $0x80, $0x38;
	[tilespmem:$0x2000] =	vst v63  }
0x5e: {  	v2 =	vld.idx.msk [tilespmem:v0+s2+$0x0], $0xffff;
	_ =	sdelay $0x4  }
0x5f: {  	v2 =	vtrunc.f32 v2  }
0x60: {  	v2 =	vcvt.f32.s32 v2;
	_ =	sdelay $0x1  }
0x61: {  	v2 =	vshll.u32 v2, $0x4  }
0x62: {  	(v2sf) =	vpush v2, $0x0  }
0x63: {  	(v2sf) =	vpush v2, $0x1  }
0x64: {  	s28 =	rddreg [dreg:$0x13];
	(v2sf) =	vpush v2, $0x2  }
0x65: {  	s30 =	rddreg [dreg:$0x14]  }
0x66: {  	s13 =	rddreg [dreg:$0x1c];
	(v2sf) =	vpush v2, $0x3  }
0x67: {  	s15 =	rddreg [dreg:$0x1a]  }
0x68: {  	s16 =	rddreg [dreg:$0x19];
	(v2sf) =	vpush v2, $0x4  }
0x69: {  	s18 =	rddreg [dreg:$0x17]  }
0x6a: {  	s19 =	rddreg [dreg:$0x16];
	(v2sf) =	vpush v2, $0x5  }
0x6b: {  	s12 =	rddreg [dreg:$0x1d]  }
0x6c: {  	s11 =	rddreg [dreg:$0x1e];
	(v2sf) =	vpush v2, $0x6  }
0x6d: {  	s14 =	rddreg [dreg:$0x1b]  }
0x6e: {  	s10 =	rddreg [dreg:$0x1f];
	(v2sf) =	vpush v2, $0x7  }
0x6f: {  	s17 =	rddreg [dreg:$0x18]  }
0x70: {  	s9 =	sld [smem:$0x7FB];
	(v2sf) =	vpush v2, $0x8  }
0x71: {  	s20 =	rddreg [dreg:$0x15];
	s29 =	spop (v2sf)  }
0x72: {  	s8 =	sld [smem:$0x7FC];
	(v2sf) =	vpush v2, $0x9;
	s22 =	sand.u32 $0x1FFFFFF0, s29;
	s31 =	spop (v2sf)  }
0x73: {  	s22 =	sadd.s32 s6, s22;
	s24 =	sand.u32 $0x1FFFFFF0, s31;
	s25 =	spop (v2sf)  }
0x74: {  	(v2sf) =	vpush v2, $0xA;
	[tilespmem:s28], [sflag:$0x1] =	stream.linear.gather [hbm4b:s22+s2], $0x80, $0x38;
	[tilespmem:$0x2000] =	vst v63  }
0x75: {  	s24 =	sadd.s32 s6, s24;
	s26 =	sand.u32 $0x1FFFFFF0, s25;
	s28 =	spop (v2sf)  }
0x76: {  	(v2sf) =	vpush v2, $0xB;
	[tilespmem:s30], [sflag:$0x1] =	stream.linear.gather [hbm4b:s24+s2], $0x80, $0x38;
	[tilespmem:$0x2000] =	vst v63  }
0x77: {  	s29 =	sadd.s32 s6, s26;
	s31 =	spop (v2sf);
	s30 =	sand.u32 $0x1FFFFFF0, s28  }
0x78: {  	(v2sf) =	vpush v2, $0xC;
	[tilespmem:s20], [sflag:$0x1] =	stream.linear.gather [hbm4b:s29+s2], $0x80, $0x38;
	[tilespmem:$0x2000] =	vst v63  }
0x79: {  	s23 =	sand.u32 $0x1FFFFFF0, s31;
	s24 =	spop (v2sf);
	s22 =	sadd.s32 s6, s30  }
0x7a: {  	(v2sf) =	vpush v2, $0xD;
	[tilespmem:s19], [sflag:$0x1] =	stream.linear.gather [hbm4b:s22+s2], $0x80, $0x38;
	[tilespmem:$0x2000] =	vst v63  }
0x7b: {  	s25 =	sadd.s32 s6, s23;
	s26 =	sand.u32 $0x1FFFFFF0, s24;
	s28 =	spop (v2sf)  }
0x7c: {  	(v2sf) =	vpush v2, $0xE;
	[tilespmem:s18], [sflag:$0x1] =	stream.linear.gather [hbm4b:s25+s2], $0x80, $0x38;
	[tilespmem:$0x2000] =	vst v63  }
0x7d: {  	s29 =	sadd.s32 s6, s26;
	s30 =	sand.u32 $0x1FFFFFF0, s28;
	s31 =	spop (v2sf)  }
0x7e: {  	(v2sf) =	vpush v2, $0xF;
	[tilespmem:s17], [sflag:$0x1] =	stream.linear.gather [hbm4b:s29+s2], $0x80, $0x38;
	[tilespmem:$0x2000] =	vst v63  }
0x7f: {  	s20 =	sand.u32 $0x1FFFFFF0, s31;
	s21 =	spop (v2sf);
	s19 =	sadd.s32 s6, s30  }
0x80: {  	[tilespmem:s16], [sflag:$0x1] =	stream.linear.gather [hbm4b:s19+s2], $0x80, $0x38;
	[tilespmem:$0x2000] =	vst v63  }
0x81: {  	s22 =	sadd.s32 s6, s20;
	s23 =	sand.u32 $0x1FFFFFF0, s21;
	s24 =	spop (v2sf)  }
0x82: {  	[tilespmem:s15], [sflag:$0x1] =	stream.linear.gather [hbm4b:s22+s2], $0x80, $0x38;
	[tilespmem:$0x2000] =	vst v63  }
0x83: {  	s25 =	sadd.s32 s6, s23;
	s26 =	sand.u32 $0x1FFFFFF0, s24;
	s28 =	spop (v2sf)  }
0x84: {  	[tilespmem:s14], [sflag:$0x1] =	stream.linear.gather [hbm4b:s25+s2], $0x80, $0x38;
	[tilespmem:$0x2000] =	vst v63  }
0x85: {  	s29 =	sadd.s32 s6, s26;
	s30 =	sand.u32 $0x1FFFFFF0, s28;
	s31 =	spop (v2sf)  }
0x86: {  	[tilespmem:s13], [sflag:$0x1] =	stream.linear.gather [hbm4b:s29+s2], $0x80, $0x38;
	[tilespmem:$0x2000] =	vst v63  }
0x87: {  	s15 =	sand.u32 $0x1FFFFFF0, s31;
	s16 =	spop (v2sf);
	s14 =	sadd.s32 s6, s30  }
0x88: {  	[tilespmem:s12], [sflag:$0x1] =	stream.linear.gather [hbm4b:s14+s2], $0x80, $0x38;
	[tilespmem:$0x2000] =	vst v63  }
0x89: {  	s17 =	sadd.s32 s6, s15;
	s18 =	sand.u32 $0x1FFFFFF0, s16;
	s19 =	spop (v2sf)  }
0x8a: {  	[tilespmem:s11], [sflag:$0x1] =	stream.linear.gather [hbm4b:s17+s2], $0x80, $0x38;
	[tilespmem:$0x2000] =	vst v63  }
0x8b: {  	s20 =	sadd.s32 s6, s18;
	s21 =	sand.u32 $0x1FFFFFF0, s19;
	s22 =	spop (v2sf)  }
0x8c: {  	[tilespmem:s10], [sflag:$0x1] =	stream.linear.gather [hbm4b:s20+s2], $0x80, $0x38;
	[tilespmem:$0x2000] =	vst v63  }
0x8d: {  	s23 =	sadd.s32 s6, s21;
	s24 =	sand.u32 $0x1FFFFFF0, s22;
	s25 =	spop (v2sf)  }
0x8e: {  	[tilespmem:s9], [sflag:$0x1] =	stream.linear.gather [hbm4b:s23+s2], $0x80, $0x38;
	[tilespmem:$0x2000] =	vst v63  }
0x8f: {  	s29 =	sld [smem:$0x7FD];
	s26 =	sadd.s32 s6, s24;
	s28 =	sand.u32 $0x1FFFFFF0, s25  }
0x90: {  	[tilespmem:s8], [sflag:$0x1] =	stream.linear.gather [hbm4b:s26+s2], $0x80, $0x38;
	[tilespmem:$0x2000] =	vst v63  }
0x91: {  	s30 =	sadd.s32 s6, s28  }
0x92: {  	[tilespmem:s29], [sflag:$0x1] =	stream.linear.gather [hbm4b:s30+s2], $0x80, $0x38;
	[tilespmem:$0x2000] =	vst v63  }
0x93: {  	_ =	swait.ge [sflag:s5], $0x80  }
0x94: {  	[sflag:s5] =	ssyncset.done $0x0  }
0x95: {  	[sflag:s5] =	ssyncadd.s32 $0xFFFFFF80  }
0x96: {  	_ =	swait.ge [sflag:s5], $0x80  }
0x97: {  	[sflag:s5] =	ssyncset.done $0x0  }
0x98: {  	[sflag:s5] =	ssyncadd.s32 $0xFFFFFF80  }
0x99: {  	_ =	swait.ge [sflag:s5], $0x80  }
0x9a: {  	[sflag:s5] =	ssyncset.done $0x0  }
0x9b: {  	[sflag:s5] =	ssyncadd.s32 $0xFFFFFF80  }
0x9c: {  	_ =	swait.ge [sflag:s5], $0x80  }
0x9d: {  	[sflag:s5] =	ssyncset.done $0x0  }
0x9e: {  	[sflag:s5] =	ssyncadd.s32 $0xFFFFFF80  }
0x9f: {  	_ =	swait.ge [sflag:s5], $0x80  }
0xa0: {  	[sflag:s5] =	ssyncset.done $0x0  }
0xa1: {  	[sflag:s5] =	ssyncadd.s32 $0xFFFFFF80  }
0xa2: {  	_ =	swait.ge [sflag:s5], $0x80  }
0xa3: {  	[sflag:s5] =	ssyncset.done $0x0  }
0xa4: {  	[sflag:s5] =	ssyncadd.s32 $0xFFFFFF80  }
0xa5: {  	_ =	swait.ge [sflag:s5], $0x80  }
0xa6: {  	[sflag:s5] =	ssyncset.done $0x0  }
0xa7: {  	[sflag:s5] =	ssyncadd.s32 $0xFFFFFF80  }
0xa8: {  	_ =	swait.ge [sflag:s5], $0x80  }
0xa9: {  	[sflag:s5] =	ssyncset.done $0x0  }
0xaa: {  	[sflag:s5] =	ssyncadd.s32 $0xFFFFFF80  }
0xab: {  	_ =	swait.ge [sflag:s5], $0x80  }
0xac: {  	[sflag:s5] =	ssyncset.done $0x0  }
0xad: {  	[sflag:s5] =	ssyncadd.s32 $0xFFFFFF80  }
0xae: {  	_ =	swait.ge [sflag:s5], $0x80  }
0xaf: {  	[sflag:s5] =	ssyncset.done $0x0  }
0xb0: {  	[sflag:s5] =	ssyncadd.s32 $0xFFFFFF80  }
0xb1: {  	_ =	swait.ge [sflag:s5], $0x80  }
0xb2: {  	[sflag:s5] =	ssyncset.done $0x0  }
0xb3: {  	[sflag:s5] =	ssyncadd.s32 $0xFFFFFF80  }
0xb4: {  	_ =	swait.ge [sflag:s5], $0x80  }
0xb5: {  	[sflag:s5] =	ssyncset.done $0x0  }
0xb6: {  	[sflag:s5] =	ssyncadd.s32 $0xFFFFFF80  }
0xb7: {  	_ =	swait.ge [sflag:s5], $0x80  }
0xb8: {  	[sflag:s5] =	ssyncset.done $0x0  }
0xb9: {  	[sflag:s5] =	ssyncadd.s32 $0xFFFFFF80  }
0xba: {  	_ =	swait.ge [sflag:s5], $0x80  }
0xbb: {  	[sflag:s5] =	ssyncset.done $0x0  }
0xbc: {  	[sflag:s5] =	ssyncadd.s32 $0xFFFFFF80  }
0xbd: {  	_ =	swait.ge [sflag:s5], $0x80  }
0xbe: {  	[sflag:s5] =	ssyncset.done $0x0  }
0xbf: {  	[sflag:s5] =	ssyncadd.s32 $0xFFFFFF80  }
0xc0: {  	_ =	swait.ge [sflag:s5], $0x80  }
0xc1: {  	[sflag:s5] =	ssyncset.done $0x0  }
0xc2: {  	[sflag:s5] =	ssyncadd.s32 $0xFFFFFF80  }
0xc3: {  	_ =	swait.ge [sflag:s5], $0x80  }
0xc4: {  	[sflag:s5] =	ssyncset.done $0x0  }
0xc5: {  	[sflag:s5] =	ssyncadd.s32 $0xFFFFFF80  }
0xc6: {  	_ =	swait.ge [sflag:s5], $0x80  }
0xc7: {  	[sflag:s5] =	ssyncset.done $0x0  }
0xc8: {  	[sflag:s5] =	ssyncadd.s32 $0xFFFFFF80  }
0xc9: {  	_ =	swait.ge [sflag:s5], $0x80  }
0xca: {  	[sflag:s5] =	ssyncset.done $0x0  }
0xcb: {  	[sflag:s5] =	ssyncadd.s32 $0xFFFFFF80  }
0xcc: {  	_ =	swait.ge [sflag:s5], $0x80  }
0xcd: {  	[sflag:s5] =	ssyncset.done $0x0  }
0xce: {  	[sflag:s5] =	ssyncadd.s32 $0xFFFFFF80  }
0xcf: {  	_ =	swait.ge [sflag:s5], $0x80  }
0xd0: {  	[sflag:s5] =	ssyncset.done $0x0  }
0xd1: {  	[sflag:s5] =	ssyncadd.s32 $0xFFFFFF80  }
0xd2: {  	_ =	swait.ge [sflag:s5], $0x80  }
0xd3: {  	[sflag:s5] =	ssyncset.done $0x0  }
0xd4: {  	[sflag:s5] =	ssyncadd.s32 $0xFFFFFF80  }
0xd5: {  	_ =	swait.ge [sflag:s5], $0x80  }
0xd6: {  	[sflag:s5] =	ssyncset.done $0x0  }
0xd7: {  	[sflag:s5] =	ssyncadd.s32 $0xFFFFFF80  }
0xd8: {  	_ =	swait.ge [sflag:s5], $0x80  }
0xd9: {  	[sflag:s5] =	ssyncset.done $0x0  }
0xda: {  	[sflag:s5] =	ssyncadd.s32 $0xFFFFFF80  }
0xdb: {  	_ =	swait.ge [sflag:s5], $0x80  }
0xdc: {  	[sflag:s5] =	ssyncset.done $0x0  }
0xdd: {  	[sflag:s5] =	ssyncadd.s32 $0xFFFFFF80  }
0xde: {  	_ =	swait.ge [sflag:s5], $0x80  }
0xdf: {  	[sflag:s5] =	ssyncset.done $0x0  }
0xe0: {  	[sflag:s5] =	ssyncadd.s32 $0xFFFFFF80  }
0xe1: {  	_ =	swait.ge [sflag:s5], $0x80  }
0xe2: {  	[sflag:s5] =	ssyncset.done $0x0  }
0xe3: {  	[sflag:s5] =	ssyncadd.s32 $0xFFFFFF80  }
0xe4: {  	_ =	swait.ge [sflag:s5], $0x80  }
0xe5: {  	[sflag:s5] =	ssyncset.done $0x0  }
0xe6: {  	[sflag:s5] =	ssyncadd.s32 $0xFFFFFF80  }
0xe7: {  	_ =	swait.ge [sflag:s5], $0x80  }
0xe8: {  	[sflag:s5] =	ssyncset.done $0x0  }
0xe9: {  	[sflag:s5] =	ssyncadd.s32 $0xFFFFFF80  }
0xea: {  	_ =	swait.ge [sflag:s5], $0x80  }
0xeb: {  	[sflag:s5] =	ssyncset.done $0x0  }
0xec: {  	[sflag:s5] =	ssyncadd.s32 $0xFFFFFF80  }
0xed: {  	_ =	swait.ge [sflag:s5], $0x80  }
0xee: {  	[sflag:s5] =	ssyncset.done $0x0  }
0xef: {  	[sflag:s5] =	ssyncadd.s32 $0xFFFFFF80  }
0xf0: {  	p1 =	sne.s32 s7, $0x1;
	_ =	swait.ge [sflag:s5], $0x80  }
.Ltmp1:
0xf1: {  	[sflag:s5] =	ssyncset.done $0x0;
	(pc) =	sbr.rel @!p1 .LBB2_3-.Ltmp1, $4  }
0xf2: {  	s31 =	rddreg [dreg:$0x3];
	[sflag:s5] =	ssyncadd.s32 $0xFFFFFF80  }
0xf3: {  	[hbm4b:s31+s2] =	stream.linear.scatter [tilespmem:s4], [sflag:$0x2], $0x1000, $0x38;
	[tilespmem:$0x2000] =	vst v63  }
0xf4: {  	s7 =	sadd.s32 $0xFFFFFFFF, s7;
	_ =	swait.ge [sflag:s3], $0x1000  }
0xf5: {  	p0 =	por $0x1, $0x1;
	s8 =	rddreg [dreg:$0x2];
	[sflag:s3] =	ssyncset.done $0x0  }
.LBB2_2:
0xf6: {  	[sflag:s3] =	ssyncadd.s32 $0xFFFFF000  }
0xf7: {  	[tilespmem:s2], [sflag:$0x2] =	stream.linear.gather [hbm4b:s8+s2], $0x1000, $0x38;
	[tilespmem:$0x2000] =	vst v63  }
0xf8: {  	_ =	swait.ge [sflag:s3], $0x1000  }
0xf9: {  	[sflag:s3] =	ssyncset.done $0x0  }
0xfa: {  	[sflag:s3] =	ssyncadd.s32 $0xFFFFF000  }
0xfb: {  	v2 =	vld.idx.msk [tilespmem:v1+s2+$0x0], $0xffff;
	_ =	sdelay $0x4  }
0xfc: {  	v2 =	vtrunc.f32 v2  }
0xfd: {  	v2 =	vcvt.f32.s32 v2;
	_ =	sdelay $0x1  }
0xfe: {  	v2 =	vshll.u32 v2, $0x4  }
0xff: {  	(v2sf) =	vpush v2, $0x0  }
0x100: {  	(v2sf) =	vpush v2, $0x1  }
0x101: {  	(v2sf) =	vpush v2, $0x2;
	_ =	sdelay $0x1  }
0x102: {  	s9 =	rddreg [dreg:$0x10];
	(v2sf) =	vpush v2, $0x3  }
0x103: {  	s10 =	rddreg [dreg:$0xf]  }
0x104: {  	s11 =	rddreg [dreg:$0xe];
	(v2sf) =	vpush v2, $0x4  }
0x105: {  	s12 =	rddreg [dreg:$0xd]  }
0x106: {  	s13 =	rddreg [dreg:$0xc];
	(v2sf) =	vpush v2, $0x5  }
0x107: {  	s14 =	rddreg [dreg:$0xb]  }
0x108: {  	s15 =	rddreg [dreg:$0xa];
	(v2sf) =	vpush v2, $0x6  }
0x109: {  	s16 =	rddreg [dreg:$0x9]  }
0x10a: {  	s17 =	rddreg [dreg:$0x8];
	(v2sf) =	vpush v2, $0x7  }
0x10b: {  	s18 =	rddreg [dreg:$0x7]  }
0x10c: {  	s19 =	rddreg [dreg:$0x6];
	(v2sf) =	vpush v2, $0x8  }
0x10d: {  	s20 =	rddreg [dreg:$0x5];
	s21 =	spop (v2sf)  }
0x10e: {  	s22 =	rddreg [dreg:$0x4];
	s21 =	sand.u32 $0x1FFFFFF0, s21;
	s23 =	spop (v2sf);
	(v2sf) =	vpush v2, $0x9  }
0x10f: {  	s21 =	sadd.s32 s6, s21;
	s23 =	sand.u32 $0x1FFFFFF0, s23;
	s24 =	spop (v2sf)  }
0x110: {  	(v2sf) =	vpush v2, $0xA;
	[tilespmem:s4], [sflag:$0x1] =	stream.linear.gather [hbm4b:s21+s2], $0x80, $0x38;
	[tilespmem:$0x2000] =	vst v63  }
0x111: {  	s29 =	sadd.s32 s6, s23;
	s30 =	sand.u32 $0x1FFFFFF0, s24;
	s31 =	spop (v2sf)  }
0x112: {  	(v2sf) =	vpush v2, $0xB;
	[tilespmem:s22], [sflag:$0x1] =	stream.linear.gather [hbm4b:s29+s2], $0x80, $0x38;
	[tilespmem:$0x2000] =	vst v63  }
0x113: {  	s25 =	sadd.s32 s6, s30;
	s26 =	sand.u32 $0x1FFFFFF0, s31;
	s28 =	spop (v2sf)  }
0x114: {  	(v2sf) =	vpush v2, $0xC;
	[tilespmem:s20], [sflag:$0x1] =	stream.linear.gather [hbm4b:s25+s2], $0x80, $0x38;
	[tilespmem:$0x2000] =	vst v63  }
0x115: {  	s29 =	sadd.s32 s6, s26;
	s30 =	sand.u32 $0x1FFFFFF0, s28;
	s31 =	spop (v2sf)  }
0x116: {  	(v2sf) =	vpush v2, $0xD;
	[tilespmem:s19], [sflag:$0x1] =	stream.linear.gather [hbm4b:s29+s2], $0x80, $0x38;
	[tilespmem:$0x2000] =	vst v63  }
0x117: {  	s21 =	sadd.s32 s6, s30;
	s23 =	sand.u32 $0x1FFFFFF0, s31;
	s24 =	spop (v2sf)  }
0x118: {  	(v2sf) =	vpush v2, $0xE;
	[tilespmem:s18], [sflag:$0x1] =	stream.linear.gather [hbm4b:s21+s2], $0x80, $0x38;
	[tilespmem:$0x2000] =	vst v63  }
0x119: {  	s25 =	sadd.s32 s6, s23;
	s26 =	sand.u32 $0x1FFFFFF0, s24;
	s28 =	spop (v2sf)  }
0x11a: {  	(v2sf) =	vpush v2, $0xF;
	[tilespmem:s17], [sflag:$0x1] =	stream.linear.gather [hbm4b:s25+s2], $0x80, $0x38;
	[tilespmem:$0x2000] =	vst v63  }
0x11b: {  	s30 =	sand.u32 $0x1FFFFFF0, s28;
	s31 =	spop (v2sf);
	s29 =	sadd.s32 s6, s26  }
0x11c: {  	[tilespmem:s16], [sflag:$0x1] =	stream.linear.gather [hbm4b:s29+s2], $0x80, $0x38;
	[tilespmem:$0x2000] =	vst v63  }
0x11d: {  	s20 =	sand.u32 $0x1FFFFFF0, s31;
	s18 =	sadd.s32 s6, s30;
	s21 =	spop (v2sf)  }
0x11e: {  	[tilespmem:s15], [sflag:$0x1] =	stream.linear.gather [hbm4b:s18+s2], $0x80, $0x38;
	[tilespmem:$0x2000] =	vst v63  }
0x11f: {  	s22 =	sadd.s32 s6, s20;
	s23 =	sand.u32 $0x1FFFFFF0, s21;
	s24 =	spop (v2sf)  }
0x120: {  	[tilespmem:s14], [sflag:$0x1] =	stream.linear.gather [hbm4b:s22+s2], $0x80, $0x38;
	[tilespmem:$0x2000] =	vst v63  }
0x121: {  	s25 =	sadd.s32 s6, s23;
	s26 =	sand.u32 $0x1FFFFFF0, s24;
	s28 =	spop (v2sf)  }
0x122: {  	[tilespmem:s13], [sflag:$0x1] =	stream.linear.gather [hbm4b:s25+s2], $0x80, $0x38;
	[tilespmem:$0x2000] =	vst v63  }
0x123: {  	s29 =	sadd.s32 s6, s26;
	s30 =	sand.u32 $0x1FFFFFF0, s28;
	s31 =	spop (v2sf)  }
0x124: {  	[tilespmem:s12], [sflag:$0x1] =	stream.linear.gather [hbm4b:s29+s2], $0x80, $0x38;
	[tilespmem:$0x2000] =	vst v63  }
0x125: {  	s14 =	sadd.s32 s6, s30;
	s15 =	sand.u32 $0x1FFFFFF0, s31;
	s16 =	spop (v2sf)  }
0x126: {  	[tilespmem:s11], [sflag:$0x1] =	stream.linear.gather [hbm4b:s14+s2], $0x80, $0x38;
	[tilespmem:$0x2000] =	vst v63  }
0x127: {  	s17 =	sadd.s32 s6, s15;
	s18 =	sand.u32 $0x1FFFFFF0, s16;
	s19 =	spop (v2sf)  }
0x128: {  	[tilespmem:s10], [sflag:$0x1] =	stream.linear.gather [hbm4b:s17+s2], $0x80, $0x38;
	[tilespmem:$0x2000] =	vst v63  }
0x129: {  	s20 =	sadd.s32 s6, s18;
	s21 =	sand.u32 $0x1FFFFFF0, s19;
	s22 =	spop (v2sf)  }
0x12a: {  	[tilespmem:s9], [sflag:$0x1] =	stream.linear.gather [hbm4b:s20+s2], $0x80, $0x38;
	[tilespmem:$0x2000] =	vst v63  }
0x12b: {  	s8 =	rddreg [dreg:$0x11];
	s23 =	sadd.s32 s6, s21;
	s24 =	sand.u32 $0x1FFFFFF0, s22  }
0x12c: {  	[tilespmem:s8], [sflag:$0x1] =	stream.linear.gather [hbm4b:s23+s2], $0x80, $0x38;
	[tilespmem:$0x2000] =	vst v63  }
0x12d: {  	s25 =	rddreg [dreg:$0x12];
	s26 =	sadd.s32 s6, s24  }
0x12e: {  	[tilespmem:s25], [sflag:$0x1] =	stream.linear.gather [hbm4b:s26+s2], $0x80, $0x38;
	[tilespmem:$0x2000] =	vst v63  }
0x12f: {  	v2 =	vld.idx.msk [tilespmem:v0+s2+$0x0], $0xffff;
	_ =	sdelay $0x4  }
0x130: {  	v2 =	vtrunc.f32 v2  }
0x131: {  	v2 =	vcvt.f32.s32 v2;
	_ =	sdelay $0x1  }
0x132: {  	v2 =	vshll.u32 v2, $0x4  }
0x133: {  	(v2sf) =	vpush v2, $0x0  }
0x134: {  	(v2sf) =	vpush v2, $0x1  }
0x135: {  	s28 =	rddreg [dreg:$0x13];
	(v2sf) =	vpush v2, $0x2  }
0x136: {  	s30 =	rddreg [dreg:$0x14]  }
0x137: {  	s13 =	rddreg [dreg:$0x1c];
	(v2sf) =	vpush v2, $0x3  }
0x138: {  	s15 =	rddreg [dreg:$0x1a]  }
0x139: {  	s16 =	rddreg [dreg:$0x19];
	(v2sf) =	vpush v2, $0x4  }
0x13a: {  	s18 =	rddreg [dreg:$0x17]  }
0x13b: {  	s19 =	rddreg [dreg:$0x16];
	(v2sf) =	vpush v2, $0x5  }
0x13c: {  	s12 =	rddreg [dreg:$0x1d]  }
0x13d: {  	s11 =	rddreg [dreg:$0x1e];
	(v2sf) =	vpush v2, $0x6  }
0x13e: {  	s14 =	rddreg [dreg:$0x1b]  }
0x13f: {  	s10 =	rddreg [dreg:$0x1f];
	(v2sf) =	vpush v2, $0x7  }
0x140: {  	s17 =	rddreg [dreg:$0x18]  }
0x141: {  	s9 =	sld [smem:$0x7FB];
	(v2sf) =	vpush v2, $0x8  }
0x142: {  	s20 =	rddreg [dreg:$0x15];
	s29 =	spop (v2sf)  }
0x143: {  	s8 =	sld [smem:$0x7FC];
	s22 =	sand.u32 $0x1FFFFFF0, s29;
	s31 =	spop (v2sf);
	(v2sf) =	vpush v2, $0x9  }
0x144: {  	s22 =	sadd.s32 s6, s22;
	s24 =	sand.u32 $0x1FFFFFF0, s31;
	s25 =	spop (v2sf)  }
0x145: {  	(v2sf) =	vpush v2, $0xA;
	[tilespmem:s28], [sflag:$0x1] =	stream.linear.gather [hbm4b:s22+s2], $0x80, $0x38;
	[tilespmem:$0x2000] =	vst v63  }
0x146: {  	s24 =	sadd.s32 s6, s24;
	s26 =	sand.u32 $0x1FFFFFF0, s25;
	s28 =	spop (v2sf)  }
0x147: {  	(v2sf) =	vpush v2, $0xB;
	[tilespmem:s30], [sflag:$0x1] =	stream.linear.gather [hbm4b:s24+s2], $0x80, $0x38;
	[tilespmem:$0x2000] =	vst v63  }
0x148: {  	s29 =	sadd.s32 s6, s26;
	s31 =	spop (v2sf);
	s30 =	sand.u32 $0x1FFFFFF0, s28  }
0x149: {  	(v2sf) =	vpush v2, $0xC;
	[tilespmem:s20], [sflag:$0x1] =	stream.linear.gather [hbm4b:s29+s2], $0x80, $0x38;
	[tilespmem:$0x2000] =	vst v63  }
0x14a: {  	s23 =	sand.u32 $0x1FFFFFF0, s31;
	s24 =	spop (v2sf);
	s22 =	sadd.s32 s6, s30  }
0x14b: {  	(v2sf) =	vpush v2, $0xD;
	[tilespmem:s19], [sflag:$0x1] =	stream.linear.gather [hbm4b:s22+s2], $0x80, $0x38;
	[tilespmem:$0x2000] =	vst v63  }
0x14c: {  	s25 =	sadd.s32 s6, s23;
	s26 =	sand.u32 $0x1FFFFFF0, s24;
	s28 =	spop (v2sf)  }
0x14d: {  	(v2sf) =	vpush v2, $0xE;
	[tilespmem:s18], [sflag:$0x1] =	stream.linear.gather [hbm4b:s25+s2], $0x80, $0x38;
	[tilespmem:$0x2000] =	vst v63  }
0x14e: {  	s29 =	sadd.s32 s6, s26;
	s30 =	sand.u32 $0x1FFFFFF0, s28;
	s31 =	spop (v2sf)  }
0x14f: {  	(v2sf) =	vpush v2, $0xF;
	[tilespmem:s17], [sflag:$0x1] =	stream.linear.gather [hbm4b:s29+s2], $0x80, $0x38;
	[tilespmem:$0x2000] =	vst v63  }
0x150: {  	s20 =	sand.u32 $0x1FFFFFF0, s31;
	s21 =	spop (v2sf);
	s19 =	sadd.s32 s6, s30  }
0x151: {  	[tilespmem:s16], [sflag:$0x1] =	stream.linear.gather [hbm4b:s19+s2], $0x80, $0x38;
	[tilespmem:$0x2000] =	vst v63  }
0x152: {  	s22 =	sadd.s32 s6, s20;
	s23 =	sand.u32 $0x1FFFFFF0, s21;
	s24 =	spop (v2sf)  }
0x153: {  	[tilespmem:s15], [sflag:$0x1] =	stream.linear.gather [hbm4b:s22+s2], $0x80, $0x38;
	[tilespmem:$0x2000] =	vst v63  }
0x154: {  	s25 =	sadd.s32 s6, s23;
	s26 =	sand.u32 $0x1FFFFFF0, s24;
	s28 =	spop (v2sf)  }
0x155: {  	[tilespmem:s14], [sflag:$0x1] =	stream.linear.gather [hbm4b:s25+s2], $0x80, $0x38;
	[tilespmem:$0x2000] =	vst v63  }
0x156: {  	s29 =	sadd.s32 s6, s26;
	s30 =	sand.u32 $0x1FFFFFF0, s28;
	s31 =	spop (v2sf)  }
0x157: {  	[tilespmem:s13], [sflag:$0x1] =	stream.linear.gather [hbm4b:s29+s2], $0x80, $0x38;
	[tilespmem:$0x2000] =	vst v63  }
0x158: {  	s14 =	sadd.s32 s6, s30;
	s15 =	sand.u32 $0x1FFFFFF0, s31;
	s16 =	spop (v2sf)  }
0x159: {  	[tilespmem:s12], [sflag:$0x1] =	stream.linear.gather [hbm4b:s14+s2], $0x80, $0x38;
	[tilespmem:$0x2000] =	vst v63  }
0x15a: {  	s17 =	sadd.s32 s6, s15;
	s18 =	sand.u32 $0x1FFFFFF0, s16;
	s19 =	spop (v2sf)  }
0x15b: {  	[tilespmem:s11], [sflag:$0x1] =	stream.linear.gather [hbm4b:s17+s2], $0x80, $0x38;
	[tilespmem:$0x2000] =	vst v63  }
0x15c: {  	s20 =	sadd.s32 s6, s18;
	s21 =	sand.u32 $0x1FFFFFF0, s19;
	s22 =	spop (v2sf)  }
0x15d: {  	[tilespmem:s10], [sflag:$0x1] =	stream.linear.gather [hbm4b:s20+s2], $0x80, $0x38;
	[tilespmem:$0x2000] =	vst v63  }
0x15e: {  	s23 =	sadd.s32 s6, s21;
	s24 =	sand.u32 $0x1FFFFFF0, s22;
	s25 =	spop (v2sf)  }
0x15f: {  	[tilespmem:s9], [sflag:$0x1] =	stream.linear.gather [hbm4b:s23+s2], $0x80, $0x38;
	[tilespmem:$0x2000] =	vst v63  }
0x160: {  	s29 =	sld [smem:$0x7FD];
	s26 =	sadd.s32 s6, s24;
	s28 =	sand.u32 $0x1FFFFFF0, s25  }
0x161: {  	[tilespmem:s8], [sflag:$0x1] =	stream.linear.gather [hbm4b:s26+s2], $0x80, $0x38;
	[tilespmem:$0x2000] =	vst v63  }
0x162: {  	s30 =	sadd.s32 s6, s28  }
0x163: {  	[tilespmem:s29], [sflag:$0x1] =	stream.linear.gather [hbm4b:s30+s2], $0x80, $0x38;
	[tilespmem:$0x2000] =	vst v63  }
0x164: {  	_ =	swait.ge [sflag:s5], $0x80  }
0x165: {  	[sflag:s5] =	ssyncset.done $0x0  }
0x166: {  	[sflag:s5] =	ssyncadd.s32 $0xFFFFFF80  }
0x167: {  	_ =	swait.ge [sflag:s5], $0x80  }
0x168: {  	[sflag:s5] =	ssyncset.done $0x0  }
0x169: {  	[sflag:s5] =	ssyncadd.s32 $0xFFFFFF80  }
0x16a: {  	_ =	swait.ge [sflag:s5], $0x80  }
0x16b: {  	[sflag:s5] =	ssyncset.done $0x0  }
0x16c: {  	[sflag:s5] =	ssyncadd.s32 $0xFFFFFF80  }
0x16d: {  	_ =	swait.ge [sflag:s5], $0x80  }
0x16e: {  	[sflag:s5] =	ssyncset.done $0x0  }
0x16f: {  	[sflag:s5] =	ssyncadd.s32 $0xFFFFFF80  }
0x170: {  	_ =	swait.ge [sflag:s5], $0x80  }
0x171: {  	[sflag:s5] =	ssyncset.done $0x0  }
0x172: {  	[sflag:s5] =	ssyncadd.s32 $0xFFFFFF80  }
0x173: {  	_ =	swait.ge [sflag:s5], $0x80  }
0x174: {  	[sflag:s5] =	ssyncset.done $0x0  }
0x175: {  	[sflag:s5] =	ssyncadd.s32 $0xFFFFFF80  }
0x176: {  	_ =	swait.ge [sflag:s5], $0x80  }
0x177: {  	[sflag:s5] =	ssyncset.done $0x0  }
0x178: {  	[sflag:s5] =	ssyncadd.s32 $0xFFFFFF80  }
0x179: {  	_ =	swait.ge [sflag:s5], $0x80  }
0x17a: {  	[sflag:s5] =	ssyncset.done $0x0  }
0x17b: {  	[sflag:s5] =	ssyncadd.s32 $0xFFFFFF80  }
0x17c: {  	_ =	swait.ge [sflag:s5], $0x80  }
0x17d: {  	[sflag:s5] =	ssyncset.done $0x0  }
0x17e: {  	[sflag:s5] =	ssyncadd.s32 $0xFFFFFF80  }
0x17f: {  	_ =	swait.ge [sflag:s5], $0x80  }
0x180: {  	[sflag:s5] =	ssyncset.done $0x0  }
0x181: {  	[sflag:s5] =	ssyncadd.s32 $0xFFFFFF80  }
0x182: {  	_ =	swait.ge [sflag:s5], $0x80  }
0x183: {  	[sflag:s5] =	ssyncset.done $0x0  }
0x184: {  	[sflag:s5] =	ssyncadd.s32 $0xFFFFFF80  }
0x185: {  	_ =	swait.ge [sflag:s5], $0x80  }
0x186: {  	[sflag:s5] =	ssyncset.done $0x0  }
0x187: {  	[sflag:s5] =	ssyncadd.s32 $0xFFFFFF80  }
0x188: {  	_ =	swait.ge [sflag:s5], $0x80  }
0x189: {  	[sflag:s5] =	ssyncset.done $0x0  }
0x18a: {  	[sflag:s5] =	ssyncadd.s32 $0xFFFFFF80  }
0x18b: {  	_ =	swait.ge [sflag:s5], $0x80  }
0x18c: {  	[sflag:s5] =	ssyncset.done $0x0  }
0x18d: {  	[sflag:s5] =	ssyncadd.s32 $0xFFFFFF80  }
0x18e: {  	_ =	swait.ge [sflag:s5], $0x80  }
0x18f: {  	[sflag:s5] =	ssyncset.done $0x0  }
0x190: {  	[sflag:s5] =	ssyncadd.s32 $0xFFFFFF80  }
0x191: {  	_ =	swait.ge [sflag:s5], $0x80  }
0x192: {  	[sflag:s5] =	ssyncset.done $0x0  }
0x193: {  	[sflag:s5] =	ssyncadd.s32 $0xFFFFFF80  }
0x194: {  	_ =	swait.ge [sflag:s5], $0x80  }
0x195: {  	[sflag:s5] =	ssyncset.done $0x0  }
0x196: {  	[sflag:s5] =	ssyncadd.s32 $0xFFFFFF80  }
0x197: {  	_ =	swait.ge [sflag:s5], $0x80  }
0x198: {  	[sflag:s5] =	ssyncset.done $0x0  }
0x199: {  	[sflag:s5] =	ssyncadd.s32 $0xFFFFFF80  }
0x19a: {  	_ =	swait.ge [sflag:s5], $0x80  }
0x19b: {  	[sflag:s5] =	ssyncset.done $0x0  }
0x19c: {  	[sflag:s5] =	ssyncadd.s32 $0xFFFFFF80  }
0x19d: {  	_ =	swait.ge [sflag:s5], $0x80  }
0x19e: {  	[sflag:s5] =	ssyncset.done $0x0  }
0x19f: {  	[sflag:s5] =	ssyncadd.s32 $0xFFFFFF80  }
0x1a0: {  	_ =	swait.ge [sflag:s5], $0x80  }
0x1a1: {  	[sflag:s5] =	ssyncset.done $0x0  }
0x1a2: {  	[sflag:s5] =	ssyncadd.s32 $0xFFFFFF80  }
0x1a3: {  	_ =	swait.ge [sflag:s5], $0x80  }
0x1a4: {  	[sflag:s5] =	ssyncset.done $0x0  }
0x1a5: {  	[sflag:s5] =	ssyncadd.s32 $0xFFFFFF80  }
0x1a6: {  	_ =	swait.ge [sflag:s5], $0x80  }
0x1a7: {  	[sflag:s5] =	ssyncset.done $0x0  }
0x1a8: {  	[sflag:s5] =	ssyncadd.s32 $0xFFFFFF80  }
0x1a9: {  	_ =	swait.ge [sflag:s5], $0x80  }
0x1aa: {  	[sflag:s5] =	ssyncset.done $0x0  }
0x1ab: {  	[sflag:s5] =	ssyncadd.s32 $0xFFFFFF80  }
0x1ac: {  	_ =	swait.ge [sflag:s5], $0x80  }
0x1ad: {  	[sflag:s5] =	ssyncset.done $0x0  }
0x1ae: {  	[sflag:s5] =	ssyncadd.s32 $0xFFFFFF80  }
0x1af: {  	_ =	swait.ge [sflag:s5], $0x80  }
0x1b0: {  	[sflag:s5] =	ssyncset.done $0x0  }
0x1b1: {  	[sflag:s5] =	ssyncadd.s32 $0xFFFFFF80  }
0x1b2: {  	_ =	swait.ge [sflag:s5], $0x80  }
0x1b3: {  	[sflag:s5] =	ssyncset.done $0x0  }
0x1b4: {  	[sflag:s5] =	ssyncadd.s32 $0xFFFFFF80  }
0x1b5: {  	_ =	swait.ge [sflag:s5], $0x80  }
0x1b6: {  	[sflag:s5] =	ssyncset.done $0x0  }
0x1b7: {  	[sflag:s5] =	ssyncadd.s32 $0xFFFFFF80  }
0x1b8: {  	_ =	swait.ge [sflag:s5], $0x80  }
0x1b9: {  	[sflag:s5] =	ssyncset.done $0x0  }
0x1ba: {  	[sflag:s5] =	ssyncadd.s32 $0xFFFFFF80  }
0x1bb: {  	_ =	swait.ge [sflag:s5], $0x80  }
0x1bc: {  	[sflag:s5] =	ssyncset.done $0x0  }
0x1bd: {  	[sflag:s5] =	ssyncadd.s32 $0xFFFFFF80  }
0x1be: {  	_ =	swait.ge [sflag:s5], $0x80  }
0x1bf: {  	[sflag:s5] =	ssyncset.done $0x0  }
0x1c0: {  	[sflag:s5] =	ssyncadd.s32 $0xFFFFFF80  }
0x1c1: {  	p1 =	sne.s32 s7, $0x1;
	_ =	swait.ge [sflag:s5], $0x80  }
.Ltmp2:
0x1c2: {  	[sflag:s5] =	ssyncset.done $0x0;
	(pc) =	sbr.rel @p1 .LBB2_2-.Ltmp2, $4  }
0x1c3: {  	s31 =	rddreg [dreg:$0x3];
	[sflag:s5] =	ssyncadd.s32 $0xFFFFFF80  }
0x1c4: {  	[hbm4b:s31+s2] =	stream.linear.scatter [tilespmem:s4], [sflag:$0x2], $0x1000, $0x38;
	[tilespmem:$0x2000] =	vst v63  }
0x1c5: {  	_ =	swait.ge [sflag:s3], $0x1000  }
0x1c6: {  	s7 =	sadd.s32 $0xFFFFFFFF, s7;
	s8 =	rddreg [dreg:$0x2];
	[sflag:s3] =	ssyncset.done $0x0  }
.LBB2_3:
0x1c7: {  	[sflag:s3] =	ssyncadd.s32 @p0 $0xFFFFF000  }
0x1c8: {  	[tilespmem:s2], [sflag:$0x2] =	stream.linear.gather [hbm4b:s8+s2], $0x1000, $0x38;
	[tilespmem:$0x2000] =	vst v63  }
0x1c9: {  	_ =	swait.ge [sflag:s3], $0x1000  }
0x1ca: {  	[sflag:s3] =	ssyncset.done $0x0  }
0x1cb: {  	[sflag:s3] =	ssyncadd.s32 $0xFFFFF000  }
0x1cc: {  	v1 =	vld.idx.msk [tilespmem:v1+s2+$0x0], $0xffff;
	_ =	sdelay $0x4  }
0x1cd: {  	v1 =	vtrunc.f32 v1  }
0x1ce: {  	v1 =	vcvt.f32.s32 v1;
	_ =	sdelay $0x1  }
0x1cf: {  	v1 =	vshll.u32 v1, $0x4  }
0x1d0: {  	(v2sf) =	vpush v1, $0x0  }
0x1d1: {  	(v2sf) =	vpush v1, $0x1  }
0x1d2: {  	(v2sf) =	vpush v1, $0x2;
	_ =	sdelay $0x1  }
0x1d3: {  	s8 =	rddreg [dreg:$0x10];
	(v2sf) =	vpush v1, $0x3  }
0x1d4: {  	s9 =	rddreg [dreg:$0xf]  }
0x1d5: {  	s10 =	rddreg [dreg:$0xe];
	(v2sf) =	vpush v1, $0x4  }
0x1d6: {  	s11 =	rddreg [dreg:$0xd]  }
0x1d7: {  	s12 =	rddreg [dreg:$0xc];
	(v2sf) =	vpush v1, $0x5  }
0x1d8: {  	s13 =	rddreg [dreg:$0xb]  }
0x1d9: {  	s14 =	rddreg [dreg:$0xa];
	(v2sf) =	vpush v1, $0x6  }
0x1da: {  	s15 =	rddreg [dreg:$0x9]  }
0x1db: {  	s16 =	rddreg [dreg:$0x8];
	(v2sf) =	vpush v1, $0x7  }
0x1dc: {  	s17 =	rddreg [dreg:$0x7]  }
0x1dd: {  	s18 =	rddreg [dreg:$0x6];
	(v2sf) =	vpush v1, $0x8  }
0x1de: {  	s19 =	rddreg [dreg:$0x5];
	s20 =	spop (v2sf)  }
0x1df: {  	s21 =	rddreg [dreg:$0x4];
	s20 =	sand.u32 $0x1FFFFFF0, s20;
	s22 =	spop (v2sf);
	(v2sf) =	vpush v1, $0x9  }
0x1e0: {  	s20 =	sadd.s32 s6, s20;
	s22 =	sand.u32 $0x1FFFFFF0, s22;
	s23 =	spop (v2sf)  }
0x1e1: {  	(v2sf) =	vpush v1, $0xA;
	[tilespmem:s4], [sflag:$0x1] =	stream.linear.gather [hbm4b:s20+s2], $0x80, $0x38;
	[tilespmem:$0x2000] =	vst v63  }
0x1e2: {  	s22 =	sadd.s32 s6, s22;
	s23 =	sand.u32 $0x1FFFFFF0, s23;
	s24 =	spop (v2sf)  }
0x1e3: {  	(v2sf) =	vpush v1, $0xB;
	[tilespmem:s21], [sflag:$0x1] =	stream.linear.gather [hbm4b:s22+s2], $0x80, $0x38;
	[tilespmem:$0x2000] =	vst v63  }
0x1e4: {  	s25 =	sadd.s32 s6, s23;
	s26 =	sand.u32 $0x1FFFFFF0, s24;
	s28 =	spop (v2sf)  }
0x1e5: {  	(v2sf) =	vpush v1, $0xC;
	[tilespmem:s19], [sflag:$0x1] =	stream.linear.gather [hbm4b:s25+s2], $0x80, $0x38;
	[tilespmem:$0x2000] =	vst v63  }
0x1e6: {  	s29 =	sadd.s32 s6, s26;
	s30 =	sand.u32 $0x1FFFFFF0, s28;
	s31 =	spop (v2sf)  }
0x1e7: {  	(v2sf) =	vpush v1, $0xD;
	[tilespmem:s18], [sflag:$0x1] =	stream.linear.gather [hbm4b:s29+s2], $0x80, $0x38;
	[tilespmem:$0x2000] =	vst v63  }
0x1e8: {  	s22 =	sadd.s32 s6, s30;
	s23 =	sand.u32 $0x1FFFFFF0, s31;
	s24 =	spop (v2sf)  }
0x1e9: {  	(v2sf) =	vpush v1, $0xE;
	[tilespmem:s17], [sflag:$0x1] =	stream.linear.gather [hbm4b:s22+s2], $0x80, $0x38;
	[tilespmem:$0x2000] =	vst v63  }
0x1ea: {  	s25 =	sadd.s32 s6, s23;
	s26 =	sand.u32 $0x1FFFFFF0, s24;
	s28 =	spop (v2sf)  }
0x1eb: {  	(v2sf) =	vpush v1, $0xF;
	[tilespmem:s16], [sflag:$0x1] =	stream.linear.gather [hbm4b:s25+s2], $0x80, $0x38;
	[tilespmem:$0x2000] =	vst v63  }
0x1ec: {  	s30 =	sand.u32 $0x1FFFFFF0, s28;
	s31 =	spop (v2sf);
	s29 =	sadd.s32 s6, s26  }
0x1ed: {  	[tilespmem:s15], [sflag:$0x1] =	stream.linear.gather [hbm4b:s29+s2], $0x80, $0x38;
	[tilespmem:$0x2000] =	vst v63  }
0x1ee: {  	s19 =	sadd.s32 s6, s30;
	s20 =	sand.u32 $0x1FFFFFF0, s31;
	s21 =	spop (v2sf)  }
0x1ef: {  	[tilespmem:s14], [sflag:$0x1] =	stream.linear.gather [hbm4b:s19+s2], $0x80, $0x38;
	[tilespmem:$0x2000] =	vst v63  }
0x1f0: {  	s22 =	sadd.s32 s6, s20;
	s23 =	sand.u32 $0x1FFFFFF0, s21;
	s24 =	spop (v2sf)  }
0x1f1: {  	[tilespmem:s13], [sflag:$0x1] =	stream.linear.gather [hbm4b:s22+s2], $0x80, $0x38;
	[tilespmem:$0x2000] =	vst v63  }
0x1f2: {  	s25 =	sadd.s32 s6, s23;
	s26 =	sand.u32 $0x1FFFFFF0, s24;
	s28 =	spop (v2sf)  }
0x1f3: {  	[tilespmem:s12], [sflag:$0x1] =	stream.linear.gather [hbm4b:s25+s2], $0x80, $0x38;
	[tilespmem:$0x2000] =	vst v63  }
0x1f4: {  	s29 =	sadd.s32 s6, s26;
	s30 =	sand.u32 $0x1FFFFFF0, s28;
	s31 =	spop (v2sf)  }
0x1f5: {  	[tilespmem:s11], [sflag:$0x1] =	stream.linear.gather [hbm4b:s29+s2], $0x80, $0x38;
	[tilespmem:$0x2000] =	vst v63  }
0x1f6: {  	s15 =	sadd.s32 s6, s30;
	s16 =	sand.u32 $0x1FFFFFF0, s31;
	s17 =	spop (v2sf)  }
0x1f7: {  	[tilespmem:s10], [sflag:$0x1] =	stream.linear.gather [hbm4b:s15+s2], $0x80, $0x38;
	[tilespmem:$0x2000] =	vst v63  }
0x1f8: {  	s18 =	sadd.s32 s6, s16;
	s19 =	sand.u32 $0x1FFFFFF0, s17;
	s20 =	spop (v2sf)  }
0x1f9: {  	[tilespmem:s9], [sflag:$0x1] =	stream.linear.gather [hbm4b:s18+s2], $0x80, $0x38;
	[tilespmem:$0x2000] =	vst v63  }
0x1fa: {  	s21 =	sadd.s32 s6, s19;
	s22 =	sand.u32 $0x1FFFFFF0, s20;
	s23 =	spop (v2sf)  }
0x1fb: {  	[tilespmem:s8], [sflag:$0x1] =	stream.linear.gather [hbm4b:s21+s2], $0x80, $0x38;
	[tilespmem:$0x2000] =	vst v63  }
0x1fc: {  	s7 =	rddreg [dreg:$0x11];
	s24 =	sadd.s32 s6, s22;
	s25 =	sand.u32 $0x1FFFFFF0, s23  }
0x1fd: {  	[tilespmem:s7], [sflag:$0x1] =	stream.linear.gather [hbm4b:s24+s2], $0x80, $0x38;
	[tilespmem:$0x2000] =	vst v63  }
0x1fe: {  	s26 =	rddreg [dreg:$0x12];
	s28 =	sadd.s32 s6, s25  }
0x1ff: {  	[tilespmem:s26], [sflag:$0x1] =	stream.linear.gather [hbm4b:s28+s2], $0x80, $0x38;
	[tilespmem:$0x2000] =	vst v63  }
0x200: {  	v0 =	vld.idx.msk [tilespmem:v0+s2+$0x0], $0xffff;
	_ =	sdelay $0x4  }
0x201: {  	v0 =	vtrunc.f32 v0  }
0x202: {  	v0 =	vcvt.f32.s32 v0;
	_ =	sdelay $0x1  }
0x203: {  	v0 =	vshll.u32 v0, $0x4  }
0x204: {  	(v2sf) =	vpush v0, $0x0  }
0x205: {  	(v2sf) =	vpush v0, $0x1  }
0x206: {  	s14 =	rddreg [dreg:$0x1a];
	(v2sf) =	vpush v0, $0x2  }
0x207: {  	s13 =	rddreg [dreg:$0x1b]  }
0x208: {  	s31 =	rddreg [dreg:$0x14];
	(v2sf) =	vpush v0, $0x3  }
0x209: {  	s12 =	rddreg [dreg:$0x1c]  }
0x20a: {  	s16 =	rddreg [dreg:$0x18];
	(v2sf) =	vpush v0, $0x4  }
0x20b: {  	s17 =	rddreg [dreg:$0x17]  }
0x20c: {  	s19 =	rddreg [dreg:$0x15];
	(v2sf) =	vpush v0, $0x5  }
0x20d: {  	s11 =	rddreg [dreg:$0x1d]  }
0x20e: {  	s29 =	rddreg [dreg:$0x13];
	(v2sf) =	vpush v0, $0x6  }
0x20f: {  	s10 =	rddreg [dreg:$0x1e]  }
0x210: {  	s15 =	rddreg [dreg:$0x19];
	(v2sf) =	vpush v0, $0x7  }
0x211: {  	s9 =	rddreg [dreg:$0x1f]  }
0x212: {  	s18 =	rddreg [dreg:$0x16];
	(v2sf) =	vpush v0, $0x8  }
0x213: {  	s8 =	sld [smem:$0x7FB];
	s30 =	spop (v2sf)  }
0x214: {  	s7 =	sld [smem:$0x7FC];
	(v2sf) =	vpush v0, $0x9;
	s21 =	sand.u32 $0x1FFFFFF0, s30;
	s24 =	spop (v2sf)  }
0x215: {  	s21 =	sadd.s32 s6, s21;
	s23 =	sand.u32 $0x1FFFFFF0, s24;
	s24 =	spop (v2sf)  }
0x216: {  	(v2sf) =	vpush v0, $0xA;
	[tilespmem:s29], [sflag:$0x1] =	stream.linear.gather [hbm4b:s21+s2], $0x80, $0x38;
	[tilespmem:$0x2000] =	vst v63  }
0x217: {  	s25 =	sadd.s32 s6, s23;
	s26 =	sand.u32 $0x1FFFFFF0, s24;
	s28 =	spop (v2sf)  }
0x218: {  	(v2sf) =	vpush v0, $0xB;
	[tilespmem:s31], [sflag:$0x1] =	stream.linear.gather [hbm4b:s25+s2], $0x80, $0x38;
	[tilespmem:$0x2000] =	vst v63  }
0x219: {  	s29 =	sadd.s32 s6, s26;
	s30 =	sand.u32 $0x1FFFFFF0, s28;
	s31 =	spop (v2sf)  }
0x21a: {  	(v2sf) =	vpush v0, $0xC;
	[tilespmem:s19], [sflag:$0x1] =	stream.linear.gather [hbm4b:s29+s2], $0x80, $0x38;
	[tilespmem:$0x2000] =	vst v63  }
0x21b: {  	s21 =	sadd.s32 s6, s30;
	s23 =	sand.u32 $0x1FFFFFF0, s31;
	s24 =	spop (v2sf)  }
0x21c: {  	(v2sf) =	vpush v0, $0xD;
	[tilespmem:s18], [sflag:$0x1] =	stream.linear.gather [hbm4b:s21+s2], $0x80, $0x38;
	[tilespmem:$0x2000] =	vst v63  }
0x21d: {  	s25 =	sadd.s32 s6, s23;
	s26 =	sand.u32 $0x1FFFFFF0, s24;
	s28 =	spop (v2sf)  }
0x21e: {  	(v2sf) =	vpush v0, $0xE;
	[tilespmem:s17], [sflag:$0x1] =	stream.linear.gather [hbm4b:s25+s2], $0x80, $0x38;
	[tilespmem:$0x2000] =	vst v63  }
0x21f: {  	s29 =	sadd.s32 s6, s26;
	s30 =	sand.u32 $0x1FFFFFF0, s28;
	s31 =	spop (v2sf)  }
0x220: {  	(v2sf) =	vpush v0, $0xF;
	[tilespmem:s16], [sflag:$0x1] =	stream.linear.gather [hbm4b:s29+s2], $0x80, $0x38;
	[tilespmem:$0x2000] =	vst v63  }
0x221: {  	s18 =	sadd.s32 s6, s30;
	s20 =	sand.u32 $0x1FFFFFF0, s31;
	s21 =	spop (v2sf)  }
0x222: {  	[tilespmem:s15], [sflag:$0x1] =	stream.linear.gather [hbm4b:s18+s2], $0x80, $0x38;
	[tilespmem:$0x2000] =	vst v63  }
0x223: {  	s22 =	sadd.s32 s6, s20;
	s23 =	sand.u32 $0x1FFFFFF0, s21;
	s24 =	spop (v2sf)  }
0x224: {  	[tilespmem:s14], [sflag:$0x1] =	stream.linear.gather [hbm4b:s22+s2], $0x80, $0x38;
	[tilespmem:$0x2000] =	vst v63  }
0x225: {  	s25 =	sadd.s32 s6, s23;
	s26 =	sand.u32 $0x1FFFFFF0, s24;
	s28 =	spop (v2sf)  }
0x226: {  	[tilespmem:s13], [sflag:$0x1] =	stream.linear.gather [hbm4b:s25+s2], $0x80, $0x38;
	[tilespmem:$0x2000] =	vst v63  }
0x227: {  	s29 =	sadd.s32 s6, s26;
	s30 =	sand.u32 $0x1FFFFFF0, s28;
	s31 =	spop (v2sf)  }
0x228: {  	[tilespmem:s12], [sflag:$0x1] =	stream.linear.gather [hbm4b:s29+s2], $0x80, $0x38;
	[tilespmem:$0x2000] =	vst v63  }
0x229: {  	s14 =	sadd.s32 s6, s30;
	s15 =	sand.u32 $0x1FFFFFF0, s31;
	s16 =	spop (v2sf)  }
0x22a: {  	[tilespmem:s11], [sflag:$0x1] =	stream.linear.gather [hbm4b:s14+s2], $0x80, $0x38;
	[tilespmem:$0x2000] =	vst v63  }
0x22b: {  	s17 =	sadd.s32 s6, s15;
	s18 =	sand.u32 $0x1FFFFFF0, s16;
	s19 =	spop (v2sf)  }
0x22c: {  	[tilespmem:s10], [sflag:$0x1] =	stream.linear.gather [hbm4b:s17+s2], $0x80, $0x38;
	[tilespmem:$0x2000] =	vst v63  }
0x22d: {  	s20 =	sadd.s32 s6, s18;
	s21 =	sand.u32 $0x1FFFFFF0, s19;
	s22 =	spop (v2sf)  }
0x22e: {  	[tilespmem:s9], [sflag:$0x1] =	stream.linear.gather [hbm4b:s20+s2], $0x80, $0x38;
	[tilespmem:$0x2000] =	vst v63  }
0x22f: {  	s23 =	sadd.s32 s6, s21;
	s24 =	sand.u32 $0x1FFFFFF0, s22;
	s25 =	spop (v2sf)  }
0x230: {  	[tilespmem:s8], [sflag:$0x1] =	stream.linear.gather [hbm4b:s23+s2], $0x80, $0x38;
	[tilespmem:$0x2000] =	vst v63  }
0x231: {  	s29 =	sld [smem:$0x7FD];
	s26 =	sadd.s32 s6, s24;
	s28 =	sand.u32 $0x1FFFFFF0, s25  }
0x232: {  	[tilespmem:s7], [sflag:$0x1] =	stream.linear.gather [hbm4b:s26+s2], $0x80, $0x38;
	[tilespmem:$0x2000] =	vst v63  }
0x233: {  	s30 =	sadd.s32 s6, s28  }
0x234: {  	[tilespmem:s29], [sflag:$0x1] =	stream.linear.gather [hbm4b:s30+s2], $0x80, $0x38;
	[tilespmem:$0x2000] =	vst v63  }
0x235: {  	_ =	swait.ge [sflag:s5], $0x80  }
0x236: {  	[sflag:s5] =	ssyncset.done $0x0  }
0x237: {  	[sflag:s5] =	ssyncadd.s32 $0xFFFFFF80  }
0x238: {  	_ =	swait.ge [sflag:s5], $0x80  }
0x239: {  	[sflag:s5] =	ssyncset.done $0x0  }
0x23a: {  	[sflag:s5] =	ssyncadd.s32 $0xFFFFFF80  }
0x23b: {  	_ =	swait.ge [sflag:s5], $0x80  }
0x23c: {  	[sflag:s5] =	ssyncset.done $0x0  }
0x23d: {  	[sflag:s5] =	ssyncadd.s32 $0xFFFFFF80  }
0x23e: {  	_ =	swait.ge [sflag:s5], $0x80  }
0x23f: {  	[sflag:s5] =	ssyncset.done $0x0  }
0x240: {  	[sflag:s5] =	ssyncadd.s32 $0xFFFFFF80  }
0x241: {  	_ =	swait.ge [sflag:s5], $0x80  }
0x242: {  	[sflag:s5] =	ssyncset.done $0x0  }
0x243: {  	[sflag:s5] =	ssyncadd.s32 $0xFFFFFF80  }
0x244: {  	_ =	swait.ge [sflag:s5], $0x80  }
0x245: {  	[sflag:s5] =	ssyncset.done $0x0  }
0x246: {  	[sflag:s5] =	ssyncadd.s32 $0xFFFFFF80  }
0x247: {  	_ =	swait.ge [sflag:s5], $0x80  }
0x248: {  	[sflag:s5] =	ssyncset.done $0x0  }
0x249: {  	[sflag:s5] =	ssyncadd.s32 $0xFFFFFF80  }
0x24a: {  	_ =	swait.ge [sflag:s5], $0x80  }
0x24b: {  	[sflag:s5] =	ssyncset.done $0x0  }
0x24c: {  	[sflag:s5] =	ssyncadd.s32 $0xFFFFFF80  }
0x24d: {  	_ =	swait.ge [sflag:s5], $0x80  }
0x24e: {  	[sflag:s5] =	ssyncset.done $0x0  }
0x24f: {  	[sflag:s5] =	ssyncadd.s32 $0xFFFFFF80  }
0x250: {  	_ =	swait.ge [sflag:s5], $0x80  }
0x251: {  	[sflag:s5] =	ssyncset.done $0x0  }
0x252: {  	[sflag:s5] =	ssyncadd.s32 $0xFFFFFF80  }
0x253: {  	_ =	swait.ge [sflag:s5], $0x80  }
0x254: {  	[sflag:s5] =	ssyncset.done $0x0  }
0x255: {  	[sflag:s5] =	ssyncadd.s32 $0xFFFFFF80  }
0x256: {  	_ =	swait.ge [sflag:s5], $0x80  }
0x257: {  	[sflag:s5] =	ssyncset.done $0x0  }
0x258: {  	[sflag:s5] =	ssyncadd.s32 $0xFFFFFF80  }
0x259: {  	_ =	swait.ge [sflag:s5], $0x80  }
0x25a: {  	[sflag:s5] =	ssyncset.done $0x0  }
0x25b: {  	[sflag:s5] =	ssyncadd.s32 $0xFFFFFF80  }
0x25c: {  	_ =	swait.ge [sflag:s5], $0x80  }
0x25d: {  	[sflag:s5] =	ssyncset.done $0x0  }
0x25e: {  	[sflag:s5] =	ssyncadd.s32 $0xFFFFFF80  }
0x25f: {  	_ =	swait.ge [sflag:s5], $0x80  }
0x260: {  	[sflag:s5] =	ssyncset.done $0x0  }
0x261: {  	[sflag:s5] =	ssyncadd.s32 $0xFFFFFF80  }
0x262: {  	_ =	swait.ge [sflag:s5], $0x80  }
0x263: {  	[sflag:s5] =	ssyncset.done $0x0  }
0x264: {  	[sflag:s5] =	ssyncadd.s32 $0xFFFFFF80  }
0x265: {  	_ =	swait.ge [sflag:s5], $0x80  }
0x266: {  	[sflag:s5] =	ssyncset.done $0x0  }
0x267: {  	[sflag:s5] =	ssyncadd.s32 $0xFFFFFF80  }
0x268: {  	_ =	swait.ge [sflag:s5], $0x80  }
0x269: {  	[sflag:s5] =	ssyncset.done $0x0  }
0x26a: {  	[sflag:s5] =	ssyncadd.s32 $0xFFFFFF80  }
0x26b: {  	_ =	swait.ge [sflag:s5], $0x80  }
0x26c: {  	[sflag:s5] =	ssyncset.done $0x0  }
0x26d: {  	[sflag:s5] =	ssyncadd.s32 $0xFFFFFF80  }
0x26e: {  	_ =	swait.ge [sflag:s5], $0x80  }
0x26f: {  	[sflag:s5] =	ssyncset.done $0x0  }
0x270: {  	[sflag:s5] =	ssyncadd.s32 $0xFFFFFF80  }
0x271: {  	_ =	swait.ge [sflag:s5], $0x80  }
0x272: {  	[sflag:s5] =	ssyncset.done $0x0  }
0x273: {  	[sflag:s5] =	ssyncadd.s32 $0xFFFFFF80  }
0x274: {  	_ =	swait.ge [sflag:s5], $0x80  }
0x275: {  	[sflag:s5] =	ssyncset.done $0x0  }
0x276: {  	[sflag:s5] =	ssyncadd.s32 $0xFFFFFF80  }
0x277: {  	_ =	swait.ge [sflag:s5], $0x80  }
0x278: {  	[sflag:s5] =	ssyncset.done $0x0  }
0x279: {  	[sflag:s5] =	ssyncadd.s32 $0xFFFFFF80  }
0x27a: {  	_ =	swait.ge [sflag:s5], $0x80  }
0x27b: {  	[sflag:s5] =	ssyncset.done $0x0  }
0x27c: {  	[sflag:s5] =	ssyncadd.s32 $0xFFFFFF80  }
0x27d: {  	_ =	swait.ge [sflag:s5], $0x80  }
0x27e: {  	[sflag:s5] =	ssyncset.done $0x0  }
0x27f: {  	[sflag:s5] =	ssyncadd.s32 $0xFFFFFF80  }
0x280: {  	_ =	swait.ge [sflag:s5], $0x80  }
0x281: {  	[sflag:s5] =	ssyncset.done $0x0  }
0x282: {  	[sflag:s5] =	ssyncadd.s32 $0xFFFFFF80  }
0x283: {  	_ =	swait.ge [sflag:s5], $0x80  }
0x284: {  	[sflag:s5] =	ssyncset.done $0x0  }
0x285: {  	[sflag:s5] =	ssyncadd.s32 $0xFFFFFF80  }
0x286: {  	_ =	swait.ge [sflag:s5], $0x80  }
0x287: {  	[sflag:s5] =	ssyncset.done $0x0  }
0x288: {  	[sflag:s5] =	ssyncadd.s32 $0xFFFFFF80  }
0x289: {  	_ =	swait.ge [sflag:s5], $0x80  }
0x28a: {  	[sflag:s5] =	ssyncset.done $0x0  }
0x28b: {  	[sflag:s5] =	ssyncadd.s32 $0xFFFFFF80  }
0x28c: {  	_ =	swait.ge [sflag:s5], $0x80  }
0x28d: {  	[sflag:s5] =	ssyncset.done $0x0  }
0x28e: {  	[sflag:s5] =	ssyncadd.s32 $0xFFFFFF80  }
0x28f: {  	_ =	swait.ge [sflag:s5], $0x80  }
0x290: {  	[sflag:s5] =	ssyncset.done $0x0  }
0x291: {  	[sflag:s5] =	ssyncadd.s32 $0xFFFFFF80  }
0x292: {  	_ =	swait.ge [sflag:s5], $0x80  }
0x293: {  	[sflag:s5] =	ssyncset.done $0x0  }
0x294: {  	s31 =	rddreg [dreg:$0x3];
	[sflag:s5] =	ssyncadd.s32 $0xFFFFFF80  }
0x295: {  	[hbm4b:s31+s2] =	stream.linear.scatter [tilespmem:s4], [sflag:$0x2], $0x1000, $0x38;
	[tilespmem:$0x2000] =	vst v63  }
0x296: {  	_ =	swait.ge [sflag:s3], $0x1000  }
0x297: {  	[sflag:s3] =	ssyncset.done $0x0  }
0x298: {  	[sflag:s3] =	ssyncadd.s32 $0xFFFFF000  }
0x299: {  	_ =	sfence.sel $0x180000  }
0x29a: {  	[bflag:$0x0] =	sbarrier.arrive $0xFFFF  }
0x29b: {  	p0 =	sne.s32 s0, $0x0;
	_ =	strace $0x90000047  }
0x29c: {  	s0 =	sadd.s32 @!p0 $0x100000, s1;
	[bflag:$0x2] =	sbarrier.arrive $0xFFFF  }
0x29d: {  	[sflag:s0] =	ssyncadd.tile.s32 @!p0 $0x1;
	_ =	shalt  }
.Lfunc_end2:
_tile_overlayer_lowered:
.L_overlay_start_2:
0x29e: {  	(tag) =	ssettag $0x2  }
0x29f: {  	s0 =	rddreg [dreg:$0x0];
	s2 =	stileid.u32  }
0x2a0: {  	s1 =	rddreg [dreg:$0x1];
	p0 =	sne.s32 s2, $0x0  }
0x2a1: {  	s3 =	rddreg [dreg:$0x2];
	[bflag:$0x3] =	sbarrier.arrive $0xFFFF;
	s2 =	simm.s32 @!p0 $0x1C02  }
0x2a2: {  	[timem:s3], [sflag:s2] =	dma.local @!p0 [hbm:s0], s1  }
0x2a3: {  	s0 =	simm.s32 @!p0 $0x2  }
0x2a4: {  	_ =	swait.ge @!p0 [sflag:s0], s1  }
0x2a5: {  	s1 =	ssub.s32 @!p0 $0x0, s1;
	[sflag:s0] =	ssyncset.done @!p0 $0x0  }
0x2a6: {  	[sflag:s0] =	ssyncadd.s32 @!p0 s1  }
0x2a7: {  	[bflag:$0x3] =	sbarrier.arrive $0xFFFF  }
0x2a8: {  	_ =	shalt  }

</sc_bundles>
